<compile_context>
chip_gen: v7x
topology: tpu7x:2x2x1
jax: 0.10.2.dev20260603
libtpu: 0.0.44.dev20260713+nightly
codegen_flags: <defaults>
</compile_context>

<pallas_src>
import functools

import jax
import jax.numpy as jnp
from jax import lax
from jax.experimental import pallas as pl
from jax.experimental.pallas import tpu as pltpu
from jax.experimental.pallas import tpu_sc as plsc

LANES = 16
SUB = 128
NSUB = 4
SUPER = SUB * NSUB
NW = 32


def _make_sc_call(T, B, V, D):
    bags_per_w = B // NW
    nvec = D // LANES

    mesh = plsc.VectorSubcoreMesh(core_axis_name="c", subcore_axis_name="s")

    @functools.partial(
        pl.kernel,
        out_type=jax.ShapeDtypeStruct((B, D), jnp.float32),
        mesh=mesh,
        compiler_params=pltpu.CompilerParams(
            needs_layout_passes=False, use_tc_tiling_on_sc=False),
        scratch_types=[
            pltpu.VMEM((2, SUPER), jnp.int32),
            pltpu.VMEM((2, SUPER, D), jnp.float32),
            pltpu.VMEM((bags_per_w + 2 * LANES,), jnp.int32),
            pltpu.VMEM((bags_per_w, D), jnp.float32),
            pltpu.SMEM((2,), jnp.int32),
            pltpu.SemaphoreType.DMA,
            pltpu.SemaphoreType.DMA,
        ],
    )
    def sc_embed(sub_hbm, offext_hbm, table_hbm, out_hbm,
                 idx_v, rows_v, off_v, outv, scal, sem0, sem1):
        cid = lax.axis_index("c")
        sid = lax.axis_index("s")
        wid = cid * 16 + sid
        b0 = wid * bags_per_w

        pltpu.sync_copy(
            offext_hbm.at[pl.ds(b0, bags_per_w + 2 * LANES)], off_v)

        ov = off_v[pl.ds(0, LANES)]
        p0 = ov[0]
        p0_al = (p0 >> 3) << 3

        def fetch(k, par, sem):
            start = pl.multiple_of(p0_al + k * SUPER, 8)
            pltpu.sync_copy(sub_hbm.at[pl.ds(start, SUPER)], idx_v.at[par])
            for s in range(NSUB):
                pltpu.async_copy(
                    table_hbm.at[idx_v.at[par, pl.ds(s * SUB, SUB)]],
                    rows_v.at[par, pl.ds(s * SUB, SUB)], sem)

        def drain(par, sem):
            for s in range(NSUB):
                pltpu.make_async_copy(
                    table_hbm.at[idx_v.at[par, pl.ds(s * SUB, SUB)]],
                    rows_v.at[par, pl.ds(s * SUB, SUB)], sem).wait()

        fetch(0, 0, sem0)
        fetch(1, 1, sem1)
        drain(0, sem0)
        scal[0] = 0

        def bag_body(bl, ptr):
            vals = off_v[pl.ds(bl, LANES)]
            n = vals[1] - vals[0]
            zero = jnp.zeros((LANES,), jnp.float32)

            def seg_cond(st):
                return st[0] > 0

            def seg_body(st):
                left, ptr = st[0], st[1]
                acc = st[2:]
                at_end = ptr == SUPER

                @pl.when(at_end)
                def _():
                    k = scal[0] + 1

                    @pl.when(lax.rem(k, 2) == 0)
                    def _():
                        drain(0, sem0)
                        fetch(k + 1, 1, sem1)

                    @pl.when(lax.rem(k, 2) == 1)
                    def _():
                        drain(1, sem1)
                        fetch(k + 1, 0, sem0)

                    scal[0] = k

                ptr = jnp.where(at_end, 0, ptr)
                par = lax.rem(scal[0], 2)
                m = jnp.minimum(left, SUPER - ptr)

                def add_row(p, acc):
                    return tuple(
                        acc[c] + rows_v[par, p, pl.ds(c * LANES, LANES)]
                        for c in range(nvec))

                def row_body4(i, acc):
                    base = ptr + i * 4
                    for r in range(4):
                        acc = add_row(base + r, acc)
                    return acc

                full = m >> 2
                acc = lax.fori_loop(0, full, row_body4, tuple(acc))
                tail_base = ptr + (full << 2)

                def row_body1(i, acc):
                    return add_row(tail_base + i, acc)

                acc = lax.fori_loop(0, m - (full << 2), row_body1, acc)
                return (left - m, ptr + m) + acc

            st = lax.while_loop(
                seg_cond, seg_body, (n, ptr) + (zero,) * nvec)
            ptr = st[1]
            acc = st[2:]
            nv = jnp.maximum(
                jnp.broadcast_to(n, (LANES,)).astype(jnp.float32), 1.0)
            for c in range(nvec):
                outv[bl, pl.ds(c * LANES, LANES)] = acc[c] / nv
            return ptr

        lax.fori_loop(0, bags_per_w, bag_body, p0 - p0_al)

        kf = scal[0] + 1

        @pl.when(lax.rem(kf, 2) == 0)
        def _():
            drain(0, sem0)

        @pl.when(lax.rem(kf, 2) == 1)
        def _():
            drain(1, sem1)

        pltpu.sync_copy(outv, out_hbm.at[pl.ds(b0, bags_per_w)])

    return sc_embed


def kernel(subword_idx, offsets, table):
    T = subword_idx.shape[0]
    B = offsets.shape[0]
    V, D = table.shape

    sub_pad = jnp.concatenate(
        [subword_idx, jnp.zeros((2 * SUPER + 8,), subword_idx.dtype)])
    offext = jnp.concatenate(
        [offsets, jnp.full((2 * LANES,), T, offsets.dtype)])

    return _make_sc_call(T, B, V, D)(sub_pad, offext, table)

# --- scband reference (transcript-rebuilt; emitter-appended) ---
"""Pipeline reference for scband-subword-embedding-3470333575493 (READ-ONLY COPY).

The authoritative reference and input builder live on the scoring server;
editing this copy changes nothing except your own understanding.
"""

import jax, jax.numpy as jnp
import numpy as np

B = 16384
T = 163840
V = 1000000
D = 64


def setup_inputs(seed: int = 0) -> dict:
    key = jax.random.key(seed)
    k1, k2, k3 = jax.random.split(key, 3)
    subword_idx = jax.random.randint(k1, (T,), 0, V, dtype=jnp.int32)
    offsets = jnp.sort(jax.random.randint(k2, (B,), 0, T, dtype=jnp.int32))
    offsets = offsets.at[0].set(0)  # EmbeddingBag requires offsets[0] == 0
    table = jax.random.normal(k3, (V, D), dtype=jnp.float32)
    return {"subword_idx": subword_idx, "offsets": offsets, "table": table}


def reference(subword_idx, offsets, table):
    # Faithful port of nn.EmbeddingBag(mode='mean') with offsets, as used in
    # SubwordEmbedding.forward: gather subword vectors, then mean per word-bag.
    total = subword_idx.shape[0]
    num_bags = offsets.shape[0]
    # segment id of each subword position: which bag it belongs to
    seg_ids = jnp.searchsorted(offsets, jnp.arange(total, dtype=offsets.dtype), side="right") - 1
    gathered = jnp.take(table, subword_idx, axis=0)  # [T, D] gather (SparseCore)
    sums = jax.ops.segment_sum(gathered, seg_ids, num_segments=num_bags)  # [B, D]
    counts = jax.ops.segment_sum(jnp.ones((total,), dtype=table.dtype), seg_ids, num_segments=num_bags)
    counts = jnp.clip(counts, 1.0)  # avoid div-by-zero for empty bags
    return sums / counts[:, None]

if __name__ == "__main__":
    import jax
    _d = setup_inputs()
    print(jax.jit(kernel)(*tuple(_d.values())))

</pallas_src>

<mosaic_0001>
#map = affine_map<(d0, d1) -> (0)>
#map1 = affine_map<(d0, d1) -> (0, 0)>
module attributes {stable_mosaic.version = 14 : i64} {
  func.func @sc_embed(%arg0: i32, %arg1: i32, %arg2: memref<164872xi32, #tpu.memory_space<hbm>>, %arg3: memref<16416xi32, #tpu.memory_space<hbm>>, %arg4: memref<1000000x64xf32, #tpu.memory_space<hbm>>, %arg5: memref<16384x64xf32, #tpu.memory_space<hbm>>, %arg6: memref<2x512xi32, #tpu.memory_space<vmem>>, %arg7: memref<2x512x64xf32, #tpu.memory_space<vmem>>, %arg8: memref<544xi32, #tpu.memory_space<vmem>>, %arg9: memref<512x64xf32, #tpu.memory_space<vmem>>, %arg10: memref<2xi32, #tpu.memory_space<smem>>, %arg11: memref<!tpu.dma_semaphore, #tpu.memory_space<semaphore_mem>>, %arg12: memref<!tpu.dma_semaphore, #tpu.memory_space<semaphore_mem>>) attributes {dimension_semantics = [#tpu.dimension_semantics<core_parallel>, #tpu.dimension_semantics<subcore_parallel>], iteration_bounds = array<i64: 2, 16>, scalar_prefetch = 0 : i64, scratch_operands = 7 : i64, tpu.core_type = #tpu.core_type<sc_vector_subcore>, window_params = [{transform_indices = #map}, {transform_indices = #map}, {transform_indices = #map1}, {transform_indices = #map1}]} {
    %mul3A = arith.constant 16 : i32
    %mul3A_0 = arith.muli %arg0, %mul3A : i32
    %add3A = arith.addi %mul3A_0, %arg1 : i32
    %mul3A_1 = arith.constant 512 : i32
    %mul3A_2 = arith.muli %add3A, %mul3A_1 : i32
    "tpu.region"() ({
      %run_scoped3A_177 = tpu.sem_alloc : memref<!tpu.dma_semaphore, #tpu.memory_space<semaphore_mem>>
      %dma_start3A_178 = tpu.memref_slice %arg3[%mul3A_2] : memref<16416xi32, #tpu.memory_space<hbm>> -> memref<544xi32, #tpu.memory_space<hbm>>
      %dma_start3A_179 = tpu.memref_slice %arg3[%mul3A_2] : memref<16416xi32, #tpu.memory_space<hbm>> -> memref<544xi32, #tpu.memory_space<hbm>>
      tpu.enqueue_dma source(%dma_start3A_179 : memref<544xi32, #tpu.memory_space<hbm>>) target(%arg8 : memref<544xi32, #tpu.memory_space<vmem>>) target_semaphore(%run_scoped3A_177 : memref<!tpu.dma_semaphore, #tpu.memory_space<semaphore_mem>>)
      %dma_wait3A_180 = tpu.memref_slice %arg3[%mul3A_2] : memref<16416xi32, #tpu.memory_space<hbm>> -> memref<544xi32, #tpu.memory_space<hbm>>
      %dma_wait3A_181 = tpu.memref_slice %arg3[%mul3A_2] : memref<16416xi32, #tpu.memory_space<hbm>> -> memref<544xi32, #tpu.memory_space<hbm>>
      tpu.wait_dma2 semaphore(%run_scoped3A_177 : memref<!tpu.dma_semaphore, #tpu.memory_space<semaphore_mem>>) src(%dma_wait3A_181 : memref<544xi32, #tpu.memory_space<hbm>>) dst(%arg8 : memref<544xi32, #tpu.memory_space<vmem>>)
      tpu.yield
    }) : () -> ()
    %get3A = arith.constant 0 : index
    %get3A_3 = tpu.vector_load %arg8[%get3A] {strides = array<i32>} : memref<544xi32, #tpu.memory_space<vmem>>, vector<16xi32>,
    %slice3A = vector.extract_strided_slice %get3A_3 {offsets = [0], sizes = [1], strides = [1]} : vector<16xi32> to vector<1xi32>
    %squeeze3A = vector.extract %slice3A[0] : i32 from vector<1xi32>
    %shift_right_arithmetic3A = arith.constant 3 : i32
    %shift_right_arithmetic3A_4 = arith.shrsi %squeeze3A, %shift_right_arithmetic3A : i32
    %shift_left3A = arith.constant 3 : i32
    %shift_left3A_5 = arith.shli %shift_right_arithmetic3A_4, %shift_left3A : i32
    %add3A_6 = arith.constant 0 : i32
    %add3A_7 = arith.addi %shift_left3A_5, %add3A_6 : i32
    %multiple_of3A = tpu.assume_multiple %add3A_7, 8 : i32
    %run_scoped3A = arith.constant 0 : i32
    "tpu.region"() ({
      %run_scoped3A_177 = tpu.sem_alloc : memref<!tpu.dma_semaphore, #tpu.memory_space<semaphore_mem>>
      %dma_start3A_178 = arith.constant 0 : i32
      %dma_start3A_179 = tpu.memref_slice %arg6[%run_scoped3A, %dma_start3A_178] : memref<2x512xi32, #tpu.memory_space<vmem>> -> memref<1x512xi32, #tpu.memory_space<vmem>>
      %dma_start3A_180 = tpu.memref_squeeze %dma_start3A_179 : memref<1x512xi32, #tpu.memory_space<vmem>> -> memref<512xi32, #tpu.memory_space<vmem>>
      %dma_start3A_181 = tpu.memref_slice %arg2[%multiple_of3A] : memref<164872xi32, #tpu.memory_space<hbm>> -> memref<512xi32, #tpu.memory_space<hbm>>
      %dma_start3A_182 = arith.constant 0 : i32
      %dma_start3A_183 = tpu.memref_slice %arg6[%run_scoped3A, %dma_start3A_182] : memref<2x512xi32, #tpu.memory_space<vmem>> -> memref<1x512xi32, #tpu.memory_space<vmem>>
      %dma_start3A_184 = tpu.memref_squeeze %dma_start3A_183 : memref<1x512xi32, #tpu.memory_space<vmem>> -> memref<512xi32, #tpu.memory_space<vmem>>
      %dma_start3A_185 = tpu.memref_slice %arg2[%multiple_of3A] : memref<164872xi32, #tpu.memory_space<hbm>> -> memref<512xi32, #tpu.memory_space<hbm>>
      tpu.enqueue_dma source(%dma_start3A_185 : memref<512xi32, #tpu.memory_space<hbm>>) target(%dma_start3A_184 : memref<512xi32, #tpu.memory_space<vmem>>) target_semaphore(%run_scoped3A_177 : memref<!tpu.dma_semaphore, #tpu.memory_space<semaphore_mem>>)
      %dma_wait3A_186 = arith.constant 0 : i32
      %dma_wait3A_187 = tpu.memref_slice %arg6[%run_scoped3A, %dma_wait3A_186] : memref<2x512xi32, #tpu.memory_space<vmem>> -> memref<1x512xi32, #tpu.memory_space<vmem>>
      %dma_wait3A_188 = tpu.memref_squeeze %dma_wait3A_187 : memref<1x512xi32, #tpu.memory_space<vmem>> -> memref<512xi32, #tpu.memory_space<vmem>>
      %dma_wait3A_189 = tpu.memref_slice %arg2[%multiple_of3A] : memref<164872xi32, #tpu.memory_space<hbm>> -> memref<512xi32, #tpu.memory_space<hbm>>
      %dma_wait3A_190 = arith.constant 0 : i32
      %dma_wait3A_191 = tpu.memref_slice %arg6[%run_scoped3A, %dma_wait3A_190] : memref<2x512xi32, #tpu.memory_space<vmem>> -> memref<1x512xi32, #tpu.memory_space<vmem>>
      %dma_wait3A_192 = tpu.memref_squeeze %dma_wait3A_191 : memref<1x512xi32, #tpu.memory_space<vmem>> -> memref<512xi32, #tpu.memory_space<vmem>>
      %dma_wait3A_193 = tpu.memref_slice %arg2[%multiple_of3A] : memref<164872xi32, #tpu.memory_space<hbm>> -> memref<512xi32, #tpu.memory_space<hbm>>
      tpu.wait_dma2 semaphore(%run_scoped3A_177 : memref<!tpu.dma_semaphore, #tpu.memory_space<semaphore_mem>>) src(%dma_wait3A_193 : memref<512xi32, #tpu.memory_space<hbm>>) dst(%dma_wait3A_192 : memref<512xi32, #tpu.memory_space<vmem>>)
      tpu.yield
    }) : () -> ()
    %dma_start3A = arith.constant 0 : i32
    %dma_start3A_8 = arith.constant 0 : i32
    %dma_start3A_9 = arith.constant 0 : i32
    %dma_start3A_10 = arith.constant 0 : i32
    %dma_start3A_11 = tpu.memref_slice %arg7[%dma_start3A_8, %dma_start3A_9, %dma_start3A_10] : memref<2x512x64xf32, #tpu.memory_space<vmem>> -> memref<1x128x64xf32, #tpu.memory_space<vmem>>
    %dma_start3A_12 = tpu.memref_squeeze %dma_start3A_11 : memref<1x128x64xf32, #tpu.memory_space<vmem>> -> memref<128x64xf32, #tpu.memory_space<vmem>>
    %dma_start3A_13 = arith.constant 0 : i32
    %dma_start3A_14 = tpu.memref_slice %arg6[%dma_start3A, %dma_start3A_13] : memref<2x512xi32, #tpu.memory_space<vmem>> -> memref<1x128xi32, #tpu.memory_space<vmem>>
    %dma_start3A_15 = tpu.memref_squeeze %dma_start3A_14 : memref<1x128xi32, #tpu.memory_space<vmem>> -> memref<128xi32, #tpu.memory_space<vmem>>
    %dma_start3A_16 = arith.constant 0 : i32
    %dma_start3A_17 = arith.constant 0 : i32
    %dma_start3A_18 = tpu.memref_slice %arg4[%dma_start3A_16, %dma_start3A_17] : memref<1000000x64xf32, #tpu.memory_space<hbm>> -> memref<1000000x64xf32, #tpu.memory_space<hbm>>
    tpu.enqueue_indirect_dma source(%dma_start3A_18 : memref<1000000x64xf32, #tpu.memory_space<hbm>>) target(%dma_start3A_12 : memref<128x64xf32, #tpu.memory_space<vmem>>) offsets(%dma_start3A_15 : memref<128xi32, #tpu.memory_space<vmem>>) semaphore(%arg11 : memref<!tpu.dma_semaphore, #tpu.memory_space<semaphore_mem>>)
    %dma_start3A_19 = arith.constant 0 : i32
    %dma_start3A_20 = arith.constant 0 : i32
    %dma_start3A_21 = arith.constant 128 : i32
    %dma_start3A_22 = arith.constant 0 : i32
    %dma_start3A_23 = tpu.memref_slice %arg7[%dma_start3A_20, %dma_start3A_21, %dma_start3A_22] : memref<2x512x64xf32, #tpu.memory_space<vmem>> -> memref<1x128x64xf32, #tpu.memory_space<vmem>>
    %dma_start3A_24 = tpu.memref_squeeze %dma_start3A_23 : memref<1x128x64xf32, #tpu.memory_space<vmem>> -> memref<128x64xf32, #tpu.memory_space<vmem>>
    %dma_start3A_25 = arith.constant 128 : i32
    %dma_start3A_26 = tpu.memref_slice %arg6[%dma_start3A_19, %dma_start3A_25] : memref<2x512xi32, #tpu.memory_space<vmem>> -> memref<1x128xi32, #tpu.memory_space<vmem>>
    %dma_start3A_27 = tpu.memref_squeeze %dma_start3A_26 : memref<1x128xi32, #tpu.memory_space<vmem>> -> memref<128xi32, #tpu.memory_space<vmem>>
    %dma_start3A_28 = arith.constant 0 : i32
    %dma_start3A_29 = arith.constant 0 : i32
    %dma_start3A_30 = tpu.memref_slice %arg4[%dma_start3A_28, %dma_start3A_29] : memref<1000000x64xf32, #tpu.memory_space<hbm>> -> memref<1000000x64xf32, #tpu.memory_space<hbm>>
    tpu.enqueue_indirect_dma source(%dma_start3A_30 : memref<1000000x64xf32, #tpu.memory_space<hbm>>) target(%dma_start3A_24 : memref<128x64xf32, #tpu.memory_space<vmem>>) offsets(%dma_start3A_27 : memref<128xi32, #tpu.memory_space<vmem>>) semaphore(%arg11 : memref<!tpu.dma_semaphore, #tpu.memory_space<semaphore_mem>>)
    %dma_start3A_31 = arith.constant 0 : i32
    %dma_start3A_32 = arith.constant 0 : i32
    %dma_start3A_33 = arith.constant 256 : i32
    %dma_start3A_34 = arith.constant 0 : i32
    %dma_start3A_35 = tpu.memref_slice %arg7[%dma_start3A_32, %dma_start3A_33, %dma_start3A_34] : memref<2x512x64xf32, #tpu.memory_space<vmem>> -> memref<1x128x64xf32, #tpu.memory_space<vmem>>
    %dma_start3A_36 = tpu.memref_squeeze %dma_start3A_35 : memref<1x128x64xf32, #tpu.memory_space<vmem>> -> memref<128x64xf32, #tpu.memory_space<vmem>>
    %dma_start3A_37 = arith.constant 256 : i32
    %dma_start3A_38 = tpu.memref_slice %arg6[%dma_start3A_31, %dma_start3A_37] : memref<2x512xi32, #tpu.memory_space<vmem>> -> memref<1x128xi32, #tpu.memory_space<vmem>>
    %dma_start3A_39 = tpu.memref_squeeze %dma_start3A_38 : memref<1x128xi32, #tpu.memory_space<vmem>> -> memref<128xi32, #tpu.memory_space<vmem>>
    %dma_start3A_40 = arith.constant 0 : i32
    %dma_start3A_41 = arith.constant 0 : i32
    %dma_start3A_42 = tpu.memref_slice %arg4[%dma_start3A_40, %dma_start3A_41] : memref<1000000x64xf32, #tpu.memory_space<hbm>> -> memref<1000000x64xf32, #tpu.memory_space<hbm>>
    tpu.enqueue_indirect_dma source(%dma_start3A_42 : memref<1000000x64xf32, #tpu.memory_space<hbm>>) target(%dma_start3A_36 : memref<128x64xf32, #tpu.memory_space<vmem>>) offsets(%dma_start3A_39 : memref<128xi32, #tpu.memory_space<vmem>>) semaphore(%arg11 : memref<!tpu.dma_semaphore, #tpu.memory_space<semaphore_mem>>)
    %dma_start3A_43 = arith.constant 0 : i32
    %dma_start3A_44 = arith.constant 0 : i32
    %dma_start3A_45 = arith.constant 384 : i32
    %dma_start3A_46 = arith.constant 0 : i32
    %dma_start3A_47 = tpu.memref_slice %arg7[%dma_start3A_44, %dma_start3A_45, %dma_start3A_46] : memref<2x512x64xf32, #tpu.memory_space<vmem>> -> memref<1x128x64xf32, #tpu.memory_space<vmem>>
    %dma_start3A_48 = tpu.memref_squeeze %dma_start3A_47 : memref<1x128x64xf32, #tpu.memory_space<vmem>> -> memref<128x64xf32, #tpu.memory_space<vmem>>
    %dma_start3A_49 = arith.constant 384 : i32
    %dma_start3A_50 = tpu.memref_slice %arg6[%dma_start3A_43, %dma_start3A_49] : memref<2x512xi32, #tpu.memory_space<vmem>> -> memref<1x128xi32, #tpu.memory_space<vmem>>
    %dma_start3A_51 = tpu.memref_squeeze %dma_start3A_50 : memref<1x128xi32, #tpu.memory_space<vmem>> -> memref<128xi32, #tpu.memory_space<vmem>>
    %dma_start3A_52 = arith.constant 0 : i32
    %dma_start3A_53 = arith.constant 0 : i32
    %dma_start3A_54 = tpu.memref_slice %arg4[%dma_start3A_52, %dma_start3A_53] : memref<1000000x64xf32, #tpu.memory_space<hbm>> -> memref<1000000x64xf32, #tpu.memory_space<hbm>>
    tpu.enqueue_indirect_dma source(%dma_start3A_54 : memref<1000000x64xf32, #tpu.memory_space<hbm>>) target(%dma_start3A_48 : memref<128x64xf32, #tpu.memory_space<vmem>>) offsets(%dma_start3A_51 : memref<128xi32, #tpu.memory_space<vmem>>) semaphore(%arg11 : memref<!tpu.dma_semaphore, #tpu.memory_space<semaphore_mem>>)
    %add3A_55 = arith.constant 512 : i32
    %add3A_56 = arith.addi %shift_left3A_5, %add3A_55 : i32
    %multiple_of3A_57 = tpu.assume_multiple %add3A_56, 8 : i32
    %run_scoped3A_58 = arith.constant 1 : i32
    "tpu.region"() ({
      %run_scoped3A_177 = tpu.sem_alloc : memref<!tpu.dma_semaphore, #tpu.memory_space<semaphore_mem>>
      %dma_start3A_178 = arith.constant 0 : i32
      %dma_start3A_179 = tpu.memref_slice %arg6[%run_scoped3A_58, %dma_start3A_178] : memref<2x512xi32, #tpu.memory_space<vmem>> -> memref<1x512xi32, #tpu.memory_space<vmem>>
      %dma_start3A_180 = tpu.memref_squeeze %dma_start3A_179 : memref<1x512xi32, #tpu.memory_space<vmem>> -> memref<512xi32, #tpu.memory_space<vmem>>
      %dma_start3A_181 = tpu.memref_slice %arg2[%multiple_of3A_57] : memref<164872xi32, #tpu.memory_space<hbm>> -> memref<512xi32, #tpu.memory_space<hbm>>
      %dma_start3A_182 = arith.constant 0 : i32
      %dma_start3A_183 = tpu.memref_slice %arg6[%run_scoped3A_58, %dma_start3A_182] : memref<2x512xi32, #tpu.memory_space<vmem>> -> memref<1x512xi32, #tpu.memory_space<vmem>>
      %dma_start3A_184 = tpu.memref_squeeze %dma_start3A_183 : memref<1x512xi32, #tpu.memory_space<vmem>> -> memref<512xi32, #tpu.memory_space<vmem>>
      %dma_start3A_185 = tpu.memref_slice %arg2[%multiple_of3A_57] : memref<164872xi32, #tpu.memory_space<hbm>> -> memref<512xi32, #tpu.memory_space<hbm>>
      tpu.enqueue_dma source(%dma_start3A_185 : memref<512xi32, #tpu.memory_space<hbm>>) target(%dma_start3A_184 : memref<512xi32, #tpu.memory_space<vmem>>) target_semaphore(%run_scoped3A_177 : memref<!tpu.dma_semaphore, #tpu.memory_space<semaphore_mem>>)
      %dma_wait3A_186 = arith.constant 0 : i32
      %dma_wait3A_187 = tpu.memref_slice %arg6[%run_scoped3A_58, %dma_wait3A_186] : memref<2x512xi32, #tpu.memory_space<vmem>> -> memref<1x512xi32, #tpu.memory_space<vmem>>
      %dma_wait3A_188 = tpu.memref_squeeze %dma_wait3A_187 : memref<1x512xi32, #tpu.memory_space<vmem>> -> memref<512xi32, #tpu.memory_space<vmem>>
      %dma_wait3A_189 = tpu.memref_slice %arg2[%multiple_of3A_57] : memref<164872xi32, #tpu.memory_space<hbm>> -> memref<512xi32, #tpu.memory_space<hbm>>
      %dma_wait3A_190 = arith.constant 0 : i32
      %dma_wait3A_191 = tpu.memref_slice %arg6[%run_scoped3A_58, %dma_wait3A_190] : memref<2x512xi32, #tpu.memory_space<vmem>> -> memref<1x512xi32, #tpu.memory_space<vmem>>
      %dma_wait3A_192 = tpu.memref_squeeze %dma_wait3A_191 : memref<1x512xi32, #tpu.memory_space<vmem>> -> memref<512xi32, #tpu.memory_space<vmem>>
      %dma_wait3A_193 = tpu.memref_slice %arg2[%multiple_of3A_57] : memref<164872xi32, #tpu.memory_space<hbm>> -> memref<512xi32, #tpu.memory_space<hbm>>
      tpu.wait_dma2 semaphore(%run_scoped3A_177 : memref<!tpu.dma_semaphore, #tpu.memory_space<semaphore_mem>>) src(%dma_wait3A_193 : memref<512xi32, #tpu.memory_space<hbm>>) dst(%dma_wait3A_192 : memref<512xi32, #tpu.memory_space<vmem>>)
      tpu.yield
    }) : () -> ()
    %dma_start3A_59 = arith.constant 1 : i32
    %dma_start3A_60 = arith.constant 1 : i32
    %dma_start3A_61 = arith.constant 0 : i32
    %dma_start3A_62 = arith.constant 0 : i32
    %dma_start3A_63 = tpu.memref_slice %arg7[%dma_start3A_60, %dma_start3A_61, %dma_start3A_62] : memref<2x512x64xf32, #tpu.memory_space<vmem>> -> memref<1x128x64xf32, #tpu.memory_space<vmem>>
    %dma_start3A_64 = tpu.memref_squeeze %dma_start3A_63 : memref<1x128x64xf32, #tpu.memory_space<vmem>> -> memref<128x64xf32, #tpu.memory_space<vmem>>
    %dma_start3A_65 = arith.constant 0 : i32
    %dma_start3A_66 = tpu.memref_slice %arg6[%dma_start3A_59, %dma_start3A_65] : memref<2x512xi32, #tpu.memory_space<vmem>> -> memref<1x128xi32, #tpu.memory_space<vmem>>
    %dma_start3A_67 = tpu.memref_squeeze %dma_start3A_66 : memref<1x128xi32, #tpu.memory_space<vmem>> -> memref<128xi32, #tpu.memory_space<vmem>>
    %dma_start3A_68 = arith.constant 0 : i32
    %dma_start3A_69 = arith.constant 0 : i32
    %dma_start3A_70 = tpu.memref_slice %arg4[%dma_start3A_68, %dma_start3A_69] : memref<1000000x64xf32, #tpu.memory_space<hbm>> -> memref<1000000x64xf32, #tpu.memory_space<hbm>>
    tpu.enqueue_indirect_dma source(%dma_start3A_70 : memref<1000000x64xf32, #tpu.memory_space<hbm>>) target(%dma_start3A_64 : memref<128x64xf32, #tpu.memory_space<vmem>>) offsets(%dma_start3A_67 : memref<128xi32, #tpu.memory_space<vmem>>) semaphore(%arg12 : memref<!tpu.dma_semaphore, #tpu.memory_space<semaphore_mem>>)
    %dma_start3A_71 = arith.constant 1 : i32
    %dma_start3A_72 = arith.constant 1 : i32
    %dma_start3A_73 = arith.constant 128 : i32
    %dma_start3A_74 = arith.constant 0 : i32
    %dma_start3A_75 = tpu.memref_slice %arg7[%dma_start3A_72, %dma_start3A_73, %dma_start3A_74] : memref<2x512x64xf32, #tpu.memory_space<vmem>> -> memref<1x128x64xf32, #tpu.memory_space<vmem>>
    %dma_start3A_76 = tpu.memref_squeeze %dma_start3A_75 : memref<1x128x64xf32, #tpu.memory_space<vmem>> -> memref<128x64xf32, #tpu.memory_space<vmem>>
    %dma_start3A_77 = arith.constant 128 : i32
    %dma_start3A_78 = tpu.memref_slice %arg6[%dma_start3A_71, %dma_start3A_77] : memref<2x512xi32, #tpu.memory_space<vmem>> -> memref<1x128xi32, #tpu.memory_space<vmem>>
    %dma_start3A_79 = tpu.memref_squeeze %dma_start3A_78 : memref<1x128xi32, #tpu.memory_space<vmem>> -> memref<128xi32, #tpu.memory_space<vmem>>
    %dma_start3A_80 = arith.constant 0 : i32
    %dma_start3A_81 = arith.constant 0 : i32
    %dma_start3A_82 = tpu.memref_slice %arg4[%dma_start3A_80, %dma_start3A_81] : memref<1000000x64xf32, #tpu.memory_space<hbm>> -> memref<1000000x64xf32, #tpu.memory_space<hbm>>
    tpu.enqueue_indirect_dma source(%dma_start3A_82 : memref<1000000x64xf32, #tpu.memory_space<hbm>>) target(%dma_start3A_76 : memref<128x64xf32, #tpu.memory_space<vmem>>) offsets(%dma_start3A_79 : memref<128xi32, #tpu.memory_space<vmem>>) semaphore(%arg12 : memref<!tpu.dma_semaphore, #tpu.memory_space<semaphore_mem>>)
    %dma_start3A_83 = arith.constant 1 : i32
    %dma_start3A_84 = arith.constant 1 : i32
    %dma_start3A_85 = arith.constant 256 : i32
    %dma_start3A_86 = arith.constant 0 : i32
    %dma_start3A_87 = tpu.memref_slice %arg7[%dma_start3A_84, %dma_start3A_85, %dma_start3A_86] : memref<2x512x64xf32, #tpu.memory_space<vmem>> -> memref<1x128x64xf32, #tpu.memory_space<vmem>>
    %dma_start3A_88 = tpu.memref_squeeze %dma_start3A_87 : memref<1x128x64xf32, #tpu.memory_space<vmem>> -> memref<128x64xf32, #tpu.memory_space<vmem>>
    %dma_start3A_89 = arith.constant 256 : i32
    %dma_start3A_90 = tpu.memref_slice %arg6[%dma_start3A_83, %dma_start3A_89] : memref<2x512xi32, #tpu.memory_space<vmem>> -> memref<1x128xi32, #tpu.memory_space<vmem>>
    %dma_start3A_91 = tpu.memref_squeeze %dma_start3A_90 : memref<1x128xi32, #tpu.memory_space<vmem>> -> memref<128xi32, #tpu.memory_space<vmem>>
    %dma_start3A_92 = arith.constant 0 : i32
    %dma_start3A_93 = arith.constant 0 : i32
    %dma_start3A_94 = tpu.memref_slice %arg4[%dma_start3A_92, %dma_start3A_93] : memref<1000000x64xf32, #tpu.memory_space<hbm>> -> memref<1000000x64xf32, #tpu.memory_space<hbm>>
    tpu.enqueue_indirect_dma source(%dma_start3A_94 : memref<1000000x64xf32, #tpu.memory_space<hbm>>) target(%dma_start3A_88 : memref<128x64xf32, #tpu.memory_space<vmem>>) offsets(%dma_start3A_91 : memref<128xi32, #tpu.memory_space<vmem>>) semaphore(%arg12 : memref<!tpu.dma_semaphore, #tpu.memory_space<semaphore_mem>>)
    %dma_start3A_95 = arith.constant 1 : i32
    %dma_start3A_96 = arith.constant 1 : i32
    %dma_start3A_97 = arith.constant 384 : i32
    %dma_start3A_98 = arith.constant 0 : i32
    %dma_start3A_99 = tpu.memref_slice %arg7[%dma_start3A_96, %dma_start3A_97, %dma_start3A_98] : memref<2x512x64xf32, #tpu.memory_space<vmem>> -> memref<1x128x64xf32, #tpu.memory_space<vmem>>
    %dma_start3A_100 = tpu.memref_squeeze %dma_start3A_99 : memref<1x128x64xf32, #tpu.memory_space<vmem>> -> memref<128x64xf32, #tpu.memory_space<vmem>>
    %dma_start3A_101 = arith.constant 384 : i32
    %dma_start3A_102 = tpu.memref_slice %arg6[%dma_start3A_95, %dma_start3A_101] : memref<2x512xi32, #tpu.memory_space<vmem>> -> memref<1x128xi32, #tpu.memory_space<vmem>>
    %dma_start3A_103 = tpu.memref_squeeze %dma_start3A_102 : memref<1x128xi32, #tpu.memory_space<vmem>> -> memref<128xi32, #tpu.memory_space<vmem>>
    %dma_start3A_104 = arith.constant 0 : i32
    %dma_start3A_105 = arith.constant 0 : i32
    %dma_start3A_106 = tpu.memref_slice %arg4[%dma_start3A_104, %dma_start3A_105] : memref<1000000x64xf32, #tpu.memory_space<hbm>> -> memref<1000000x64xf32, #tpu.memory_space<hbm>>
    tpu.enqueue_indirect_dma source(%dma_start3A_106 : memref<1000000x64xf32, #tpu.memory_space<hbm>>) target(%dma_start3A_100 : memref<128x64xf32, #tpu.memory_space<vmem>>) offsets(%dma_start3A_103 : memref<128xi32, #tpu.memory_space<vmem>>) semaphore(%arg12 : memref<!tpu.dma_semaphore, #tpu.memory_space<semaphore_mem>>)
    %dma_wait3A = arith.constant 0 : i32
    %dma_wait3A_107 = arith.constant 0 : i32
    %dma_wait3A_108 = arith.constant 0 : i32
    %dma_wait3A_109 = arith.constant 0 : i32
    %dma_wait3A_110 = tpu.memref_slice %arg7[%dma_wait3A_107, %dma_wait3A_108, %dma_wait3A_109] : memref<2x512x64xf32, #tpu.memory_space<vmem>> -> memref<1x128x64xf32, #tpu.memory_space<vmem>>
    %dma_wait3A_111 = tpu.memref_squeeze %dma_wait3A_110 : memref<1x128x64xf32, #tpu.memory_space<vmem>> -> memref<128x64xf32, #tpu.memory_space<vmem>>
    %dma_wait3A_112 = arith.constant 0 : i32
    %dma_wait3A_113 = tpu.memref_slice %arg6[%dma_wait3A, %dma_wait3A_112] : memref<2x512xi32, #tpu.memory_space<vmem>> -> memref<1x128xi32, #tpu.memory_space<vmem>>
    %dma_wait3A_114 = tpu.memref_squeeze %dma_wait3A_113 : memref<1x128xi32, #tpu.memory_space<vmem>> -> memref<128xi32, #tpu.memory_space<vmem>>
    %dma_wait3A_115 = arith.constant 0 : i32
    %dma_wait3A_116 = arith.constant 0 : i32
    %dma_wait3A_117 = tpu.memref_slice %arg4[%dma_wait3A_115, %dma_wait3A_116] : memref<1000000x64xf32, #tpu.memory_space<hbm>> -> memref<1000000x64xf32, #tpu.memory_space<hbm>>
    tpu.wait_indirect_dma semaphore(%arg11 : memref<!tpu.dma_semaphore, #tpu.memory_space<semaphore_mem>>) src(%dma_wait3A_117 : memref<1000000x64xf32, #tpu.memory_space<hbm>>) dst(%dma_wait3A_111 : memref<128x64xf32, #tpu.memory_space<vmem>>)
    %dma_wait3A_118 = arith.constant 0 : i32
    %dma_wait3A_119 = arith.constant 0 : i32
    %dma_wait3A_120 = arith.constant 128 : i32
    %dma_wait3A_121 = arith.constant 0 : i32
    %dma_wait3A_122 = tpu.memref_slice %arg7[%dma_wait3A_119, %dma_wait3A_120, %dma_wait3A_121] : memref<2x512x64xf32, #tpu.memory_space<vmem>> -> memref<1x128x64xf32, #tpu.memory_space<vmem>>
    %dma_wait3A_123 = tpu.memref_squeeze %dma_wait3A_122 : memref<1x128x64xf32, #tpu.memory_space<vmem>> -> memref<128x64xf32, #tpu.memory_space<vmem>>
    %dma_wait3A_124 = arith.constant 128 : i32
    %dma_wait3A_125 = tpu.memref_slice %arg6[%dma_wait3A_118, %dma_wait3A_124] : memref<2x512xi32, #tpu.memory_space<vmem>> -> memref<1x128xi32, #tpu.memory_space<vmem>>
    %dma_wait3A_126 = tpu.memref_squeeze %dma_wait3A_125 : memref<1x128xi32, #tpu.memory_space<vmem>> -> memref<128xi32, #tpu.memory_space<vmem>>
    %dma_wait3A_127 = arith.constant 0 : i32
    %dma_wait3A_128 = arith.constant 0 : i32
    %dma_wait3A_129 = tpu.memref_slice %arg4[%dma_wait3A_127, %dma_wait3A_128] : memref<1000000x64xf32, #tpu.memory_space<hbm>> -> memref<1000000x64xf32, #tpu.memory_space<hbm>>
    tpu.wait_indirect_dma semaphore(%arg11 : memref<!tpu.dma_semaphore, #tpu.memory_space<semaphore_mem>>) src(%dma_wait3A_129 : memref<1000000x64xf32, #tpu.memory_space<hbm>>) dst(%dma_wait3A_123 : memref<128x64xf32, #tpu.memory_space<vmem>>)
    %dma_wait3A_130 = arith.constant 0 : i32
    %dma_wait3A_131 = arith.constant 0 : i32
    %dma_wait3A_132 = arith.constant 256 : i32
    %dma_wait3A_133 = arith.constant 0 : i32
    %dma_wait3A_134 = tpu.memref_slice %arg7[%dma_wait3A_131, %dma_wait3A_132, %dma_wait3A_133] : memref<2x512x64xf32, #tpu.memory_space<vmem>> -> memref<1x128x64xf32, #tpu.memory_space<vmem>>
    %dma_wait3A_135 = tpu.memref_squeeze %dma_wait3A_134 : memref<1x128x64xf32, #tpu.memory_space<vmem>> -> memref<128x64xf32, #tpu.memory_space<vmem>>
    %dma_wait3A_136 = arith.constant 256 : i32
    %dma_wait3A_137 = tpu.memref_slice %arg6[%dma_wait3A_130, %dma_wait3A_136] : memref<2x512xi32, #tpu.memory_space<vmem>> -> memref<1x128xi32, #tpu.memory_space<vmem>>
    %dma_wait3A_138 = tpu.memref_squeeze %dma_wait3A_137 : memref<1x128xi32, #tpu.memory_space<vmem>> -> memref<128xi32, #tpu.memory_space<vmem>>
    %dma_wait3A_139 = arith.constant 0 : i32
    %dma_wait3A_140 = arith.constant 0 : i32
    %dma_wait3A_141 = tpu.memref_slice %arg4[%dma_wait3A_139, %dma_wait3A_140] : memref<1000000x64xf32, #tpu.memory_space<hbm>> -> memref<1000000x64xf32, #tpu.memory_space<hbm>>
    tpu.wait_indirect_dma semaphore(%arg11 : memref<!tpu.dma_semaphore, #tpu.memory_space<semaphore_mem>>) src(%dma_wait3A_141 : memref<1000000x64xf32, #tpu.memory_space<hbm>>) dst(%dma_wait3A_135 : memref<128x64xf32, #tpu.memory_space<vmem>>)
    %dma_wait3A_142 = arith.constant 0 : i32
    %dma_wait3A_143 = arith.constant 0 : i32
    %dma_wait3A_144 = arith.constant 384 : i32
    %dma_wait3A_145 = arith.constant 0 : i32
    %dma_wait3A_146 = tpu.memref_slice %arg7[%dma_wait3A_143, %dma_wait3A_144, %dma_wait3A_145] : memref<2x512x64xf32, #tpu.memory_space<vmem>> -> memref<1x128x64xf32, #tpu.memory_space<vmem>>
    %dma_wait3A_147 = tpu.memref_squeeze %dma_wait3A_146 : memref<1x128x64xf32, #tpu.memory_space<vmem>> -> memref<128x64xf32, #tpu.memory_space<vmem>>
    %dma_wait3A_148 = arith.constant 384 : i32
    %dma_wait3A_149 = tpu.memref_slice %arg6[%dma_wait3A_142, %dma_wait3A_148] : memref<2x512xi32, #tpu.memory_space<vmem>> -> memref<1x128xi32, #tpu.memory_space<vmem>>
    %dma_wait3A_150 = tpu.memref_squeeze %dma_wait3A_149 : memref<1x128xi32, #tpu.memory_space<vmem>> -> memref<128xi32, #tpu.memory_space<vmem>>
    %dma_wait3A_151 = arith.constant 0 : i32
    %dma_wait3A_152 = arith.constant 0 : i32
    %dma_wait3A_153 = tpu.memref_slice %arg4[%dma_wait3A_151, %dma_wait3A_152] : memref<1000000x64xf32, #tpu.memory_space<hbm>> -> memref<1000000x64xf32, #tpu.memory_space<hbm>>
    tpu.wait_indirect_dma semaphore(%arg11 : memref<!tpu.dma_semaphore, #tpu.memory_space<semaphore_mem>>) src(%dma_wait3A_153 : memref<1000000x64xf32, #tpu.memory_space<hbm>>) dst(%dma_wait3A_147 : memref<128x64xf32, #tpu.memory_space<vmem>>)
    %swap3A = arith.constant 0 : i32
    %swap3A_154 = arith.constant 0 : i32
    %swap3A_155 = arith.index_cast %swap3A_154 : i32 to index
    %swap3A_156 = memref.load %arg10[%swap3A_155] : memref<2xi32, #tpu.memory_space<smem>>
    memref.store %swap3A, %arg10[%swap3A_155] : memref<2xi32, #tpu.memory_space<smem>>
    %sub3A = arith.subi %squeeze3A, %shift_left3A_5 : i32
    %scan3A = arith.constant 0 : i32
    %scan3A_157 = arith.constant 512 : i32
    %scan3A_158 = arith.addi %scan3A, %scan3A_157 : i32
    %scan3A_159 = arith.constant 1 : i32
    %scan3A_160 = scf.for %scan3A_177 = %scan3A to %scan3A_158 step %scan3A_159 iter_args(%scan3A_178 = %sub3A) -> (i32)  : i32 {
      %get3A_179 = arith.index_cast %scan3A_177 : i32 to index
      %get3A_180 = tpu.vector_load %arg8[%get3A_179] {strides = array<i32>} : memref<544xi32, #tpu.memory_space<vmem>>, vector<16xi32>,
      %slice3A_181 = vector.extract_strided_slice %get3A_180 {offsets = [1], sizes = [1], strides = [1]} : vector<16xi32> to vector<1xi32>
      %squeeze3A_182 = vector.extract %slice3A_181[0] : i32 from vector<1xi32>
      %slice3A_183 = vector.extract_strided_slice %get3A_180 {offsets = [0], sizes = [1], strides = [1]} : vector<16xi32> to vector<1xi32>
      %squeeze3A_184 = vector.extract %slice3A_183[0] : i32 from vector<1xi32>
      %sub3A_185 = arith.subi %squeeze3A_182, %squeeze3A_184 : i32
      %broadcast_in_dim3A = arith.constant 0.000000e+00 : f32
      %broadcast_in_dim3A_186 = vector.broadcast %broadcast_in_dim3A : f32 to vector<16xf32>
      %while3A:6 = scf.while (%while3A_206 = %sub3A_185, %while3A_207 = %scan3A_178, %while3A_208 = %broadcast_in_dim3A_186, %while3A_209 = %broadcast_in_dim3A_186, %while3A_210 = %broadcast_in_dim3A_186, %while3A_211 = %broadcast_in_dim3A_186) : (i32, i32, vector<16xf32>, vector<16xf32>, vector<16xf32>, vector<16xf32>) -> (i32, i32, vector<16xf32>, vector<16xf32>, vector<16xf32>, vector<16xf32>) {
        %gt3A = arith.constant 0 : i32
        %gt3A_212 = arith.cmpi sgt, %while3A_206, %gt3A : i32
        scf.condition(%gt3A_212) %while3A_206, %while3A_207, %while3A_208, %while3A_209, %while3A_210, %while3A_211 : i32, i32, vector<16xf32>, vector<16xf32>, vector<16xf32>, vector<16xf32>
      } do {
      ^bb0(%while3A_206: i32, %while3A_207: i32, %while3A_208: vector<16xf32>, %while3A_209: vector<16xf32>, %while3A_210: vector<16xf32>, %while3A_211: vector<16xf32>):
        %eq3A_212 = arith.constant 512 : i32
        %eq3A_213 = arith.cmpi eq, %while3A_207, %eq3A_212 : i32
        %convert_element_type3A_214 = arith.extui %eq3A_213 : i1 to i32
        %cond3A_215 = arith.constant 0 : i32
        %cond3A_216 = arith.cmpi ne, %convert_element_type3A_214, %cond3A_215 : i32
        scf.if %cond3A_216 {
          %get3A_256 = arith.constant 0 : i32
          %get3A_257 = arith.index_cast %get3A_256 : i32 to index
          %get3A_258 = memref.load %arg10[%get3A_257] : memref<2xi32, #tpu.memory_space<smem>>
          %add3A_259 = arith.constant 1 : i32
          %add3A_260 = arith.addi %get3A_258, %add3A_259 : i32
          %rem3A_261 = arith.constant 2 : i32
          %rem3A_262 = arith.remsi %add3A_260, %rem3A_261 : i32
          %eq3A_263 = arith.constant 0 : i32
          %eq3A_264 = arith.cmpi eq, %rem3A_262, %eq3A_263 : i32
          %convert_element_type3A_265 = arith.extui %eq3A_264 : i1 to i32
          %cond3A_266 = arith.constant 0 : i32
          %cond3A_267 = arith.cmpi ne, %convert_element_type3A_265, %cond3A_266 : i32
          scf.if %cond3A_267 {
            %dma_wait3A_278 = arith.constant 0 : i32
            %dma_wait3A_279 = arith.constant 0 : i32
            %dma_wait3A_280 = arith.constant 0 : i32
            %dma_wait3A_281 = arith.constant 0 : i32
            %dma_wait3A_282 = tpu.memref_slice %arg7[%dma_wait3A_279, %dma_wait3A_280, %dma_wait3A_281] : memref<2x512x64xf32, #tpu.memory_space<vmem>> -> memref<1x128x64xf32, #tpu.memory_space<vmem>>
            %dma_wait3A_283 = tpu.memref_squeeze %dma_wait3A_282 : memref<1x128x64xf32, #tpu.memory_space<vmem>> -> memref<128x64xf32, #tpu.memory_space<vmem>>
            %dma_wait3A_284 = arith.constant 0 : i32
            %dma_wait3A_285 = tpu.memref_slice %arg6[%dma_wait3A_278, %dma_wait3A_284] : memref<2x512xi32, #tpu.memory_space<vmem>> -> memref<1x128xi32, #tpu.memory_space<vmem>>
            %dma_wait3A_286 = tpu.memref_squeeze %dma_wait3A_285 : memref<1x128xi32, #tpu.memory_space<vmem>> -> memref<128xi32, #tpu.memory_space<vmem>>
            %dma_wait3A_287 = arith.constant 0 : i32
            %dma_wait3A_288 = arith.constant 0 : i32
            %dma_wait3A_289 = tpu.memref_slice %arg4[%dma_wait3A_287, %dma_wait3A_288] : memref<1000000x64xf32, #tpu.memory_space<hbm>> -> memref<1000000x64xf32, #tpu.memory_space<hbm>>
            tpu.wait_indirect_dma semaphore(%arg11 : memref<!tpu.dma_semaphore, #tpu.memory_space<semaphore_mem>>) src(%dma_wait3A_289 : memref<1000000x64xf32, #tpu.memory_space<hbm>>) dst(%dma_wait3A_283 : memref<128x64xf32, #tpu.memory_space<vmem>>)
            %dma_wait3A_290 = arith.constant 0 : i32
            %dma_wait3A_291 = arith.constant 0 : i32
            %dma_wait3A_292 = arith.constant 128 : i32
            %dma_wait3A_293 = arith.constant 0 : i32
            %dma_wait3A_294 = tpu.memref_slice %arg7[%dma_wait3A_291, %dma_wait3A_292, %dma_wait3A_293] : memref<2x512x64xf32, #tpu.memory_space<vmem>> -> memref<1x128x64xf32, #tpu.memory_space<vmem>>
            %dma_wait3A_295 = tpu.memref_squeeze %dma_wait3A_294 : memref<1x128x64xf32, #tpu.memory_space<vmem>> -> memref<128x64xf32, #tpu.memory_space<vmem>>
            %dma_wait3A_296 = arith.constant 128 : i32
            %dma_wait3A_297 = tpu.memref_slice %arg6[%dma_wait3A_290, %dma_wait3A_296] : memref<2x512xi32, #tpu.memory_space<vmem>> -> memref<1x128xi32, #tpu.memory_space<vmem>>
            %dma_wait3A_298 = tpu.memref_squeeze %dma_wait3A_297 : memref<1x128xi32, #tpu.memory_space<vmem>> -> memref<128xi32, #tpu.memory_space<vmem>>
            %dma_wait3A_299 = arith.constant 0 : i32
            %dma_wait3A_300 = arith.constant 0 : i32
            %dma_wait3A_301 = tpu.memref_slice %arg4[%dma_wait3A_299, %dma_wait3A_300] : memref<1000000x64xf32, #tpu.memory_space<hbm>> -> memref<1000000x64xf32, #tpu.memory_space<hbm>>
            tpu.wait_indirect_dma semaphore(%arg11 : memref<!tpu.dma_semaphore, #tpu.memory_space<semaphore_mem>>) src(%dma_wait3A_301 : memref<1000000x64xf32, #tpu.memory_space<hbm>>) dst(%dma_wait3A_295 : memref<128x64xf32, #tpu.memory_space<vmem>>)
            %dma_wait3A_302 = arith.constant 0 : i32
            %dma_wait3A_303 = arith.constant 0 : i32
            %dma_wait3A_304 = arith.constant 256 : i32
            %dma_wait3A_305 = arith.constant 0 : i32
            %dma_wait3A_306 = tpu.memref_slice %arg7[%dma_wait3A_303, %dma_wait3A_304, %dma_wait3A_305] : memref<2x512x64xf32, #tpu.memory_space<vmem>> -> memref<1x128x64xf32, #tpu.memory_space<vmem>>
            %dma_wait3A_307 = tpu.memref_squeeze %dma_wait3A_306 : memref<1x128x64xf32, #tpu.memory_space<vmem>> -> memref<128x64xf32, #tpu.memory_space<vmem>>
            %dma_wait3A_308 = arith.constant 256 : i32
            %dma_wait3A_309 = tpu.memref_slice %arg6[%dma_wait3A_302, %dma_wait3A_308] : memref<2x512xi32, #tpu.memory_space<vmem>> -> memref<1x128xi32, #tpu.memory_space<vmem>>
            %dma_wait3A_310 = tpu.memref_squeeze %dma_wait3A_309 : memref<1x128xi32, #tpu.memory_space<vmem>> -> memref<128xi32, #tpu.memory_space<vmem>>
            %dma_wait3A_311 = arith.constant 0 : i32
            %dma_wait3A_312 = arith.constant 0 : i32
            %dma_wait3A_313 = tpu.memref_slice %arg4[%dma_wait3A_311, %dma_wait3A_312] : memref<1000000x64xf32, #tpu.memory_space<hbm>> -> memref<1000000x64xf32, #tpu.memory_space<hbm>>
            tpu.wait_indirect_dma semaphore(%arg11 : memref<!tpu.dma_semaphore, #tpu.memory_space<semaphore_mem>>) src(%dma_wait3A_313 : memref<1000000x64xf32, #tpu.memory_space<hbm>>) dst(%dma_wait3A_307 : memref<128x64xf32, #tpu.memory_space<vmem>>)
            %dma_wait3A_314 = arith.constant 0 : i32
            %dma_wait3A_315 = arith.constant 0 : i32
            %dma_wait3A_316 = arith.constant 384 : i32
            %dma_wait3A_317 = arith.constant 0 : i32
            %dma_wait3A_318 = tpu.memref_slice %arg7[%dma_wait3A_315, %dma_wait3A_316, %dma_wait3A_317] : memref<2x512x64xf32, #tpu.memory_space<vmem>> -> memref<1x128x64xf32, #tpu.memory_space<vmem>>
            %dma_wait3A_319 = tpu.memref_squeeze %dma_wait3A_318 : memref<1x128x64xf32, #tpu.memory_space<vmem>> -> memref<128x64xf32, #tpu.memory_space<vmem>>
            %dma_wait3A_320 = arith.constant 384 : i32
            %dma_wait3A_321 = tpu.memref_slice %arg6[%dma_wait3A_314, %dma_wait3A_320] : memref<2x512xi32, #tpu.memory_space<vmem>> -> memref<1x128xi32, #tpu.memory_space<vmem>>
            %dma_wait3A_322 = tpu.memref_squeeze %dma_wait3A_321 : memref<1x128xi32, #tpu.memory_space<vmem>> -> memref<128xi32, #tpu.memory_space<vmem>>
            %dma_wait3A_323 = arith.constant 0 : i32
            %dma_wait3A_324 = arith.constant 0 : i32
            %dma_wait3A_325 = tpu.memref_slice %arg4[%dma_wait3A_323, %dma_wait3A_324] : memref<1000000x64xf32, #tpu.memory_space<hbm>> -> memref<1000000x64xf32, #tpu.memory_space<hbm>>
            tpu.wait_indirect_dma semaphore(%arg11 : memref<!tpu.dma_semaphore, #tpu.memory_space<semaphore_mem>>) src(%dma_wait3A_325 : memref<1000000x64xf32, #tpu.memory_space<hbm>>) dst(%dma_wait3A_319 : memref<128x64xf32, #tpu.memory_space<vmem>>)
            %add3A_326 = arith.constant 1 : i32
            %add3A_327 = arith.addi %add3A_260, %add3A_326 : i32
            %mul3A_328 = arith.constant 512 : i32
            %mul3A_329 = arith.muli %add3A_327, %mul3A_328 : i32
            %add3A_330 = arith.addi %shift_left3A_5, %mul3A_329 : i32
            %multiple_of3A_331 = tpu.assume_multiple %add3A_330, 8 : i32
            %run_scoped3A_332 = arith.constant 1 : i32
            "tpu.region"() ({
              %run_scoped3A_381 = tpu.sem_alloc : memref<!tpu.dma_semaphore, #tpu.memory_space<semaphore_mem>>
              %dma_start3A_382 = arith.constant 0 : i32
              %dma_start3A_383 = tpu.memref_slice %arg6[%run_scoped3A_332, %dma_start3A_382] : memref<2x512xi32, #tpu.memory_space<vmem>> -> memref<1x512xi32, #tpu.memory_space<vmem>>
              %dma_start3A_384 = tpu.memref_squeeze %dma_start3A_383 : memref<1x512xi32, #tpu.memory_space<vmem>> -> memref<512xi32, #tpu.memory_space<vmem>>
              %dma_start3A_385 = tpu.memref_slice %arg2[%multiple_of3A_331] : memref<164872xi32, #tpu.memory_space<hbm>> -> memref<512xi32, #tpu.memory_space<hbm>>
              %dma_start3A_386 = arith.constant 0 : i32
              %dma_start3A_387 = tpu.memref_slice %arg6[%run_scoped3A_332, %dma_start3A_386] : memref<2x512xi32, #tpu.memory_space<vmem>> -> memref<1x512xi32, #tpu.memory_space<vmem>>
              %dma_start3A_388 = tpu.memref_squeeze %dma_start3A_387 : memref<1x512xi32, #tpu.memory_space<vmem>> -> memref<512xi32, #tpu.memory_space<vmem>>
              %dma_start3A_389 = tpu.memref_slice %arg2[%multiple_of3A_331] : memref<164872xi32, #tpu.memory_space<hbm>> -> memref<512xi32, #tpu.memory_space<hbm>>
              tpu.enqueue_dma source(%dma_start3A_389 : memref<512xi32, #tpu.memory_space<hbm>>) target(%dma_start3A_388 : memref<512xi32, #tpu.memory_space<vmem>>) target_semaphore(%run_scoped3A_381 : memref<!tpu.dma_semaphore, #tpu.memory_space<semaphore_mem>>)
              %dma_wait3A_390 = arith.constant 0 : i32
              %dma_wait3A_391 = tpu.memref_slice %arg6[%run_scoped3A_332, %dma_wait3A_390] : memref<2x512xi32, #tpu.memory_space<vmem>> -> memref<1x512xi32, #tpu.memory_space<vmem>>
              %dma_wait3A_392 = tpu.memref_squeeze %dma_wait3A_391 : memref<1x512xi32, #tpu.memory_space<vmem>> -> memref<512xi32, #tpu.memory_space<vmem>>
              %dma_wait3A_393 = tpu.memref_slice %arg2[%multiple_of3A_331] : memref<164872xi32, #tpu.memory_space<hbm>> -> memref<512xi32, #tpu.memory_space<hbm>>
              %dma_wait3A_394 = arith.constant 0 : i32
              %dma_wait3A_395 = tpu.memref_slice %arg6[%run_scoped3A_332, %dma_wait3A_394] : memref<2x512xi32, #tpu.memory_space<vmem>> -> memref<1x512xi32, #tpu.memory_space<vmem>>
              %dma_wait3A_396 = tpu.memref_squeeze %dma_wait3A_395 : memref<1x512xi32, #tpu.memory_space<vmem>> -> memref<512xi32, #tpu.memory_space<vmem>>
              %dma_wait3A_397 = tpu.memref_slice %arg2[%multiple_of3A_331] : memref<164872xi32, #tpu.memory_space<hbm>> -> memref<512xi32, #tpu.memory_space<hbm>>
              tpu.wait_dma2 semaphore(%run_scoped3A_381 : memref<!tpu.dma_semaphore, #tpu.memory_space<semaphore_mem>>) src(%dma_wait3A_397 : memref<512xi32, #tpu.memory_space<hbm>>) dst(%dma_wait3A_396 : memref<512xi32, #tpu.memory_space<vmem>>)
              tpu.yield
            }) : () -> ()
            %dma_start3A_333 = arith.constant 1 : i32
            %dma_start3A_334 = arith.constant 1 : i32
            %dma_start3A_335 = arith.constant 0 : i32
            %dma_start3A_336 = arith.constant 0 : i32
            %dma_start3A_337 = tpu.memref_slice %arg7[%dma_start3A_334, %dma_start3A_335, %dma_start3A_336] : memref<2x512x64xf32, #tpu.memory_space<vmem>> -> memref<1x128x64xf32, #tpu.memory_space<vmem>>
            %dma_start3A_338 = tpu.memref_squeeze %dma_start3A_337 : memref<1x128x64xf32, #tpu.memory_space<vmem>> -> memref<128x64xf32, #tpu.memory_space<vmem>>
            %dma_start3A_339 = arith.constant 0 : i32
            %dma_start3A_340 = tpu.memref_slice %arg6[%dma_start3A_333, %dma_start3A_339] : memref<2x512xi32, #tpu.memory_space<vmem>> -> memref<1x128xi32, #tpu.memory_space<vmem>>
            %dma_start3A_341 = tpu.memref_squeeze %dma_start3A_340 : memref<1x128xi32, #tpu.memory_space<vmem>> -> memref<128xi32, #tpu.memory_space<vmem>>
            %dma_start3A_342 = arith.constant 0 : i32
            %dma_start3A_343 = arith.constant 0 : i32
            %dma_start3A_344 = tpu.memref_slice %arg4[%dma_start3A_342, %dma_start3A_343] : memref<1000000x64xf32, #tpu.memory_space<hbm>> -> memref<1000000x64xf32, #tpu.memory_space<hbm>>
            tpu.enqueue_indirect_dma source(%dma_start3A_344 : memref<1000000x64xf32, #tpu.memory_space<hbm>>) target(%dma_start3A_338 : memref<128x64xf32, #tpu.memory_space<vmem>>) offsets(%dma_start3A_341 : memref<128xi32, #tpu.memory_space<vmem>>) semaphore(%arg12 : memref<!tpu.dma_semaphore, #tpu.memory_space<semaphore_mem>>)
            %dma_start3A_345 = arith.constant 1 : i32
            %dma_start3A_346 = arith.constant 1 : i32
            %dma_start3A_347 = arith.constant 128 : i32
            %dma_start3A_348 = arith.constant 0 : i32
            %dma_start3A_349 = tpu.memref_slice %arg7[%dma_start3A_346, %dma_start3A_347, %dma_start3A_348] : memref<2x512x64xf32, #tpu.memory_space<vmem>> -> memref<1x128x64xf32, #tpu.memory_space<vmem>>
            %dma_start3A_350 = tpu.memref_squeeze %dma_start3A_349 : memref<1x128x64xf32, #tpu.memory_space<vmem>> -> memref<128x64xf32, #tpu.memory_space<vmem>>
            %dma_start3A_351 = arith.constant 128 : i32
            %dma_start3A_352 = tpu.memref_slice %arg6[%dma_start3A_345, %dma_start3A_351] : memref<2x512xi32, #tpu.memory_space<vmem>> -> memref<1x128xi32, #tpu.memory_space<vmem>>
            %dma_start3A_353 = tpu.memref_squeeze %dma_start3A_352 : memref<1x128xi32, #tpu.memory_space<vmem>> -> memref<128xi32, #tpu.memory_space<vmem>>
            %dma_start3A_354 = arith.constant 0 : i32
            %dma_start3A_355 = arith.constant 0 : i32
            %dma_start3A_356 = tpu.memref_slice %arg4[%dma_start3A_354, %dma_start3A_355] : memref<1000000x64xf32, #tpu.memory_space<hbm>> -> memref<1000000x64xf32, #tpu.memory_space<hbm>>
            tpu.enqueue_indirect_dma source(%dma_start3A_356 : memref<1000000x64xf32, #tpu.memory_space<hbm>>) target(%dma_start3A_350 : memref<128x64xf32, #tpu.memory_space<vmem>>) offsets(%dma_start3A_353 : memref<128xi32, #tpu.memory_space<vmem>>) semaphore(%arg12 : memref<!tpu.dma_semaphore, #tpu.memory_space<semaphore_mem>>)
            %dma_start3A_357 = arith.constant 1 : i32
            %dma_start3A_358 = arith.constant 1 : i32
            %dma_start3A_359 = arith.constant 256 : i32
            %dma_start3A_360 = arith.constant 0 : i32
            %dma_start3A_361 = tpu.memref_slice %arg7[%dma_start3A_358, %dma_start3A_359, %dma_start3A_360] : memref<2x512x64xf32, #tpu.memory_space<vmem>> -> memref<1x128x64xf32, #tpu.memory_space<vmem>>
            %dma_start3A_362 = tpu.memref_squeeze %dma_start3A_361 : memref<1x128x64xf32, #tpu.memory_space<vmem>> -> memref<128x64xf32, #tpu.memory_space<vmem>>
            %dma_start3A_363 = arith.constant 256 : i32
            %dma_start3A_364 = tpu.memref_slice %arg6[%dma_start3A_357, %dma_start3A_363] : memref<2x512xi32, #tpu.memory_space<vmem>> -> memref<1x128xi32, #tpu.memory_space<vmem>>
            %dma_start3A_365 = tpu.memref_squeeze %dma_start3A_364 : memref<1x128xi32, #tpu.memory_space<vmem>> -> memref<128xi32, #tpu.memory_space<vmem>>
            %dma_start3A_366 = arith.constant 0 : i32
            %dma_start3A_367 = arith.constant 0 : i32
            %dma_start3A_368 = tpu.memref_slice %arg4[%dma_start3A_366, %dma_start3A_367] : memref<1000000x64xf32, #tpu.memory_space<hbm>> -> memref<1000000x64xf32, #tpu.memory_space<hbm>>
            tpu.enqueue_indirect_dma source(%dma_start3A_368 : memref<1000000x64xf32, #tpu.memory_space<hbm>>) target(%dma_start3A_362 : memref<128x64xf32, #tpu.memory_space<vmem>>) offsets(%dma_start3A_365 : memref<128xi32, #tpu.memory_space<vmem>>) semaphore(%arg12 : memref<!tpu.dma_semaphore, #tpu.memory_space<semaphore_mem>>)
            %dma_start3A_369 = arith.constant 1 : i32
            %dma_start3A_370 = arith.constant 1 : i32
            %dma_start3A_371 = arith.constant 384 : i32
            %dma_start3A_372 = arith.constant 0 : i32
            %dma_start3A_373 = tpu.memref_slice %arg7[%dma_start3A_370, %dma_start3A_371, %dma_start3A_372] : memref<2x512x64xf32, #tpu.memory_space<vmem>> -> memref<1x128x64xf32, #tpu.memory_space<vmem>>
            %dma_start3A_374 = tpu.memref_squeeze %dma_start3A_373 : memref<1x128x64xf32, #tpu.memory_space<vmem>> -> memref<128x64xf32, #tpu.memory_space<vmem>>
            %dma_start3A_375 = arith.constant 384 : i32
            %dma_start3A_376 = tpu.memref_slice %arg6[%dma_start3A_369, %dma_start3A_375] : memref<2x512xi32, #tpu.memory_space<vmem>> -> memref<1x128xi32, #tpu.memory_space<vmem>>
            %dma_start3A_377 = tpu.memref_squeeze %dma_start3A_376 : memref<1x128xi32, #tpu.memory_space<vmem>> -> memref<128xi32, #tpu.memory_space<vmem>>
            %dma_start3A_378 = arith.constant 0 : i32
            %dma_start3A_379 = arith.constant 0 : i32
            %dma_start3A_380 = tpu.memref_slice %arg4[%dma_start3A_378, %dma_start3A_379] : memref<1000000x64xf32, #tpu.memory_space<hbm>> -> memref<1000000x64xf32, #tpu.memory_space<hbm>>
            tpu.enqueue_indirect_dma source(%dma_start3A_380 : memref<1000000x64xf32, #tpu.memory_space<hbm>>) target(%dma_start3A_374 : memref<128x64xf32, #tpu.memory_space<vmem>>) offsets(%dma_start3A_377 : memref<128xi32, #tpu.memory_space<vmem>>) semaphore(%arg12 : memref<!tpu.dma_semaphore, #tpu.memory_space<semaphore_mem>>)
          } else {
          }
          %rem3A_268 = arith.constant 2 : i32
          %rem3A_269 = arith.remsi %add3A_260, %rem3A_268 : i32
          %eq3A_270 = arith.constant 1 : i32
          %eq3A_271 = arith.cmpi eq, %rem3A_269, %eq3A_270 : i32
          %convert_element_type3A_272 = arith.extui %eq3A_271 : i1 to i32
          %cond3A_273 = arith.constant 0 : i32
          %cond3A_274 = arith.cmpi ne, %convert_element_type3A_272, %cond3A_273 : i32
          scf.if %cond3A_274 {
            %dma_wait3A_278 = arith.constant 1 : i32
            %dma_wait3A_279 = arith.constant 1 : i32
            %dma_wait3A_280 = arith.constant 0 : i32
            %dma_wait3A_281 = arith.constant 0 : i32
            %dma_wait3A_282 = tpu.memref_slice %arg7[%dma_wait3A_279, %dma_wait3A_280, %dma_wait3A_281] : memref<2x512x64xf32, #tpu.memory_space<vmem>> -> memref<1x128x64xf32, #tpu.memory_space<vmem>>
            %dma_wait3A_283 = tpu.memref_squeeze %dma_wait3A_282 : memref<1x128x64xf32, #tpu.memory_space<vmem>> -> memref<128x64xf32, #tpu.memory_space<vmem>>
            %dma_wait3A_284 = arith.constant 0 : i32
            %dma_wait3A_285 = tpu.memref_slice %arg6[%dma_wait3A_278, %dma_wait3A_284] : memref<2x512xi32, #tpu.memory_space<vmem>> -> memref<1x128xi32, #tpu.memory_space<vmem>>
            %dma_wait3A_286 = tpu.memref_squeeze %dma_wait3A_285 : memref<1x128xi32, #tpu.memory_space<vmem>> -> memref<128xi32, #tpu.memory_space<vmem>>
            %dma_wait3A_287 = arith.constant 0 : i32
            %dma_wait3A_288 = arith.constant 0 : i32
            %dma_wait3A_289 = tpu.memref_slice %arg4[%dma_wait3A_287, %dma_wait3A_288] : memref<1000000x64xf32, #tpu.memory_space<hbm>> -> memref<1000000x64xf32, #tpu.memory_space<hbm>>
            tpu.wait_indirect_dma semaphore(%arg12 : memref<!tpu.dma_semaphore, #tpu.memory_space<semaphore_mem>>) src(%dma_wait3A_289 : memref<1000000x64xf32, #tpu.memory_space<hbm>>) dst(%dma_wait3A_283 : memref<128x64xf32, #tpu.memory_space<vmem>>)
            %dma_wait3A_290 = arith.constant 1 : i32
            %dma_wait3A_291 = arith.constant 1 : i32
            %dma_wait3A_292 = arith.constant 128 : i32
            %dma_wait3A_293 = arith.constant 0 : i32
            %dma_wait3A_294 = tpu.memref_slice %arg7[%dma_wait3A_291, %dma_wait3A_292, %dma_wait3A_293] : memref<2x512x64xf32, #tpu.memory_space<vmem>> -> memref<1x128x64xf32, #tpu.memory_space<vmem>>
            %dma_wait3A_295 = tpu.memref_squeeze %dma_wait3A_294 : memref<1x128x64xf32, #tpu.memory_space<vmem>> -> memref<128x64xf32, #tpu.memory_space<vmem>>
            %dma_wait3A_296 = arith.constant 128 : i32
            %dma_wait3A_297 = tpu.memref_slice %arg6[%dma_wait3A_290, %dma_wait3A_296] : memref<2x512xi32, #tpu.memory_space<vmem>> -> memref<1x128xi32, #tpu.memory_space<vmem>>
            %dma_wait3A_298 = tpu.memref_squeeze %dma_wait3A_297 : memref<1x128xi32, #tpu.memory_space<vmem>> -> memref<128xi32, #tpu.memory_space<vmem>>
            %dma_wait3A_299 = arith.constant 0 : i32
            %dma_wait3A_300 = arith.constant 0 : i32
            %dma_wait3A_301 = tpu.memref_slice %arg4[%dma_wait3A_299, %dma_wait3A_300] : memref<1000000x64xf32, #tpu.memory_space<hbm>> -> memref<1000000x64xf32, #tpu.memory_space<hbm>>
            tpu.wait_indirect_dma semaphore(%arg12 : memref<!tpu.dma_semaphore, #tpu.memory_space<semaphore_mem>>) src(%dma_wait3A_301 : memref<1000000x64xf32, #tpu.memory_space<hbm>>) dst(%dma_wait3A_295 : memref<128x64xf32, #tpu.memory_space<vmem>>)
            %dma_wait3A_302 = arith.constant 1 : i32
            %dma_wait3A_303 = arith.constant 1 : i32
            %dma_wait3A_304 = arith.constant 256 : i32
            %dma_wait3A_305 = arith.constant 0 : i32
            %dma_wait3A_306 = tpu.memref_slice %arg7[%dma_wait3A_303, %dma_wait3A_304, %dma_wait3A_305] : memref<2x512x64xf32, #tpu.memory_space<vmem>> -> memref<1x128x64xf32, #tpu.memory_space<vmem>>
            %dma_wait3A_307 = tpu.memref_squeeze %dma_wait3A_306 : memref<1x128x64xf32, #tpu.memory_space<vmem>> -> memref<128x64xf32, #tpu.memory_space<vmem>>
            %dma_wait3A_308 = arith.constant 256 : i32
            %dma_wait3A_309 = tpu.memref_slice %arg6[%dma_wait3A_302, %dma_wait3A_308] : memref<2x512xi32, #tpu.memory_space<vmem>> -> memref<1x128xi32, #tpu.memory_space<vmem>>
            %dma_wait3A_310 = tpu.memref_squeeze %dma_wait3A_309 : memref<1x128xi32, #tpu.memory_space<vmem>> -> memref<128xi32, #tpu.memory_space<vmem>>
            %dma_wait3A_311 = arith.constant 0 : i32
            %dma_wait3A_312 = arith.constant 0 : i32
            %dma_wait3A_313 = tpu.memref_slice %arg4[%dma_wait3A_311, %dma_wait3A_312] : memref<1000000x64xf32, #tpu.memory_space<hbm>> -> memref<1000000x64xf32, #tpu.memory_space<hbm>>
            tpu.wait_indirect_dma semaphore(%arg12 : memref<!tpu.dma_semaphore, #tpu.memory_space<semaphore_mem>>) src(%dma_wait3A_313 : memref<1000000x64xf32, #tpu.memory_space<hbm>>) dst(%dma_wait3A_307 : memref<128x64xf32, #tpu.memory_space<vmem>>)
            %dma_wait3A_314 = arith.constant 1 : i32
            %dma_wait3A_315 = arith.constant 1 : i32
            %dma_wait3A_316 = arith.constant 384 : i32
            %dma_wait3A_317 = arith.constant 0 : i32
            %dma_wait3A_318 = tpu.memref_slice %arg7[%dma_wait3A_315, %dma_wait3A_316, %dma_wait3A_317] : memref<2x512x64xf32, #tpu.memory_space<vmem>> -> memref<1x128x64xf32, #tpu.memory_space<vmem>>
            %dma_wait3A_319 = tpu.memref_squeeze %dma_wait3A_318 : memref<1x128x64xf32, #tpu.memory_space<vmem>> -> memref<128x64xf32, #tpu.memory_space<vmem>>
            %dma_wait3A_320 = arith.constant 384 : i32
            %dma_wait3A_321 = tpu.memref_slice %arg6[%dma_wait3A_314, %dma_wait3A_320] : memref<2x512xi32, #tpu.memory_space<vmem>> -> memref<1x128xi32, #tpu.memory_space<vmem>>
            %dma_wait3A_322 = tpu.memref_squeeze %dma_wait3A_321 : memref<1x128xi32, #tpu.memory_space<vmem>> -> memref<128xi32, #tpu.memory_space<vmem>>
            %dma_wait3A_323 = arith.constant 0 : i32
            %dma_wait3A_324 = arith.constant 0 : i32
            %dma_wait3A_325 = tpu.memref_slice %arg4[%dma_wait3A_323, %dma_wait3A_324] : memref<1000000x64xf32, #tpu.memory_space<hbm>> -> memref<1000000x64xf32, #tpu.memory_space<hbm>>
            tpu.wait_indirect_dma semaphore(%arg12 : memref<!tpu.dma_semaphore, #tpu.memory_space<semaphore_mem>>) src(%dma_wait3A_325 : memref<1000000x64xf32, #tpu.memory_space<hbm>>) dst(%dma_wait3A_319 : memref<128x64xf32, #tpu.memory_space<vmem>>)
            %add3A_326 = arith.constant 1 : i32
            %add3A_327 = arith.addi %add3A_260, %add3A_326 : i32
            %mul3A_328 = arith.constant 512 : i32
            %mul3A_329 = arith.muli %add3A_327, %mul3A_328 : i32
            %add3A_330 = arith.addi %shift_left3A_5, %mul3A_329 : i32
            %multiple_of3A_331 = tpu.assume_multiple %add3A_330, 8 : i32
            %run_scoped3A_332 = arith.constant 0 : i32
            "tpu.region"() ({
              %run_scoped3A_381 = tpu.sem_alloc : memref<!tpu.dma_semaphore, #tpu.memory_space<semaphore_mem>>
              %dma_start3A_382 = arith.constant 0 : i32
              %dma_start3A_383 = tpu.memref_slice %arg6[%run_scoped3A_332, %dma_start3A_382] : memref<2x512xi32, #tpu.memory_space<vmem>> -> memref<1x512xi32, #tpu.memory_space<vmem>>
              %dma_start3A_384 = tpu.memref_squeeze %dma_start3A_383 : memref<1x512xi32, #tpu.memory_space<vmem>> -> memref<512xi32, #tpu.memory_space<vmem>>
              %dma_start3A_385 = tpu.memref_slice %arg2[%multiple_of3A_331] : memref<164872xi32, #tpu.memory_space<hbm>> -> memref<512xi32, #tpu.memory_space<hbm>>
              %dma_start3A_386 = arith.constant 0 : i32
              %dma_start3A_387 = tpu.memref_slice %arg6[%run_scoped3A_332, %dma_start3A_386] : memref<2x512xi32, #tpu.memory_space<vmem>> -> memref<1x512xi32, #tpu.memory_space<vmem>>
              %dma_start3A_388 = tpu.memref_squeeze %dma_start3A_387 : memref<1x512xi32, #tpu.memory_space<vmem>> -> memref<512xi32, #tpu.memory_space<vmem>>
              %dma_start3A_389 = tpu.memref_slice %arg2[%multiple_of3A_331] : memref<164872xi32, #tpu.memory_space<hbm>> -> memref<512xi32, #tpu.memory_space<hbm>>
              tpu.enqueue_dma source(%dma_start3A_389 : memref<512xi32, #tpu.memory_space<hbm>>) target(%dma_start3A_388 : memref<512xi32, #tpu.memory_space<vmem>>) target_semaphore(%run_scoped3A_381 : memref<!tpu.dma_semaphore, #tpu.memory_space<semaphore_mem>>)
              %dma_wait3A_390 = arith.constant 0 : i32
              %dma_wait3A_391 = tpu.memref_slice %arg6[%run_scoped3A_332, %dma_wait3A_390] : memref<2x512xi32, #tpu.memory_space<vmem>> -> memref<1x512xi32, #tpu.memory_space<vmem>>
              %dma_wait3A_392 = tpu.memref_squeeze %dma_wait3A_391 : memref<1x512xi32, #tpu.memory_space<vmem>> -> memref<512xi32, #tpu.memory_space<vmem>>
              %dma_wait3A_393 = tpu.memref_slice %arg2[%multiple_of3A_331] : memref<164872xi32, #tpu.memory_space<hbm>> -> memref<512xi32, #tpu.memory_space<hbm>>
              %dma_wait3A_394 = arith.constant 0 : i32
              %dma_wait3A_395 = tpu.memref_slice %arg6[%run_scoped3A_332, %dma_wait3A_394] : memref<2x512xi32, #tpu.memory_space<vmem>> -> memref<1x512xi32, #tpu.memory_space<vmem>>
              %dma_wait3A_396 = tpu.memref_squeeze %dma_wait3A_395 : memref<1x512xi32, #tpu.memory_space<vmem>> -> memref<512xi32, #tpu.memory_space<vmem>>
              %dma_wait3A_397 = tpu.memref_slice %arg2[%multiple_of3A_331] : memref<164872xi32, #tpu.memory_space<hbm>> -> memref<512xi32, #tpu.memory_space<hbm>>
              tpu.wait_dma2 semaphore(%run_scoped3A_381 : memref<!tpu.dma_semaphore, #tpu.memory_space<semaphore_mem>>) src(%dma_wait3A_397 : memref<512xi32, #tpu.memory_space<hbm>>) dst(%dma_wait3A_396 : memref<512xi32, #tpu.memory_space<vmem>>)
              tpu.yield
            }) : () -> ()
            %dma_start3A_333 = arith.constant 0 : i32
            %dma_start3A_334 = arith.constant 0 : i32
            %dma_start3A_335 = arith.constant 0 : i32
            %dma_start3A_336 = arith.constant 0 : i32
            %dma_start3A_337 = tpu.memref_slice %arg7[%dma_start3A_334, %dma_start3A_335, %dma_start3A_336] : memref<2x512x64xf32, #tpu.memory_space<vmem>> -> memref<1x128x64xf32, #tpu.memory_space<vmem>>
            %dma_start3A_338 = tpu.memref_squeeze %dma_start3A_337 : memref<1x128x64xf32, #tpu.memory_space<vmem>> -> memref<128x64xf32, #tpu.memory_space<vmem>>
            %dma_start3A_339 = arith.constant 0 : i32
            %dma_start3A_340 = tpu.memref_slice %arg6[%dma_start3A_333, %dma_start3A_339] : memref<2x512xi32, #tpu.memory_space<vmem>> -> memref<1x128xi32, #tpu.memory_space<vmem>>
            %dma_start3A_341 = tpu.memref_squeeze %dma_start3A_340 : memref<1x128xi32, #tpu.memory_space<vmem>> -> memref<128xi32, #tpu.memory_space<vmem>>
            %dma_start3A_342 = arith.constant 0 : i32
            %dma_start3A_343 = arith.constant 0 : i32
            %dma_start3A_344 = tpu.memref_slice %arg4[%dma_start3A_342, %dma_start3A_343] : memref<1000000x64xf32, #tpu.memory_space<hbm>> -> memref<1000000x64xf32, #tpu.memory_space<hbm>>
            tpu.enqueue_indirect_dma source(%dma_start3A_344 : memref<1000000x64xf32, #tpu.memory_space<hbm>>) target(%dma_start3A_338 : memref<128x64xf32, #tpu.memory_space<vmem>>) offsets(%dma_start3A_341 : memref<128xi32, #tpu.memory_space<vmem>>) semaphore(%arg11 : memref<!tpu.dma_semaphore, #tpu.memory_space<semaphore_mem>>)
            %dma_start3A_345 = arith.constant 0 : i32
            %dma_start3A_346 = arith.constant 0 : i32
            %dma_start3A_347 = arith.constant 128 : i32
            %dma_start3A_348 = arith.constant 0 : i32
            %dma_start3A_349 = tpu.memref_slice %arg7[%dma_start3A_346, %dma_start3A_347, %dma_start3A_348] : memref<2x512x64xf32, #tpu.memory_space<vmem>> -> memref<1x128x64xf32, #tpu.memory_space<vmem>>
            %dma_start3A_350 = tpu.memref_squeeze %dma_start3A_349 : memref<1x128x64xf32, #tpu.memory_space<vmem>> -> memref<128x64xf32, #tpu.memory_space<vmem>>
            %dma_start3A_351 = arith.constant 128 : i32
            %dma_start3A_352 = tpu.memref_slice %arg6[%dma_start3A_345, %dma_start3A_351] : memref<2x512xi32, #tpu.memory_space<vmem>> -> memref<1x128xi32, #tpu.memory_space<vmem>>
            %dma_start3A_353 = tpu.memref_squeeze %dma_start3A_352 : memref<1x128xi32, #tpu.memory_space<vmem>> -> memref<128xi32, #tpu.memory_space<vmem>>
            %dma_start3A_354 = arith.constant 0 : i32
            %dma_start3A_355 = arith.constant 0 : i32
            %dma_start3A_356 = tpu.memref_slice %arg4[%dma_start3A_354, %dma_start3A_355] : memref<1000000x64xf32, #tpu.memory_space<hbm>> -> memref<1000000x64xf32, #tpu.memory_space<hbm>>
            tpu.enqueue_indirect_dma source(%dma_start3A_356 : memref<1000000x64xf32, #tpu.memory_space<hbm>>) target(%dma_start3A_350 : memref<128x64xf32, #tpu.memory_space<vmem>>) offsets(%dma_start3A_353 : memref<128xi32, #tpu.memory_space<vmem>>) semaphore(%arg11 : memref<!tpu.dma_semaphore, #tpu.memory_space<semaphore_mem>>)
            %dma_start3A_357 = arith.constant 0 : i32
            %dma_start3A_358 = arith.constant 0 : i32
            %dma_start3A_359 = arith.constant 256 : i32
            %dma_start3A_360 = arith.constant 0 : i32
            %dma_start3A_361 = tpu.memref_slice %arg7[%dma_start3A_358, %dma_start3A_359, %dma_start3A_360] : memref<2x512x64xf32, #tpu.memory_space<vmem>> -> memref<1x128x64xf32, #tpu.memory_space<vmem>>
            %dma_start3A_362 = tpu.memref_squeeze %dma_start3A_361 : memref<1x128x64xf32, #tpu.memory_space<vmem>> -> memref<128x64xf32, #tpu.memory_space<vmem>>
            %dma_start3A_363 = arith.constant 256 : i32
            %dma_start3A_364 = tpu.memref_slice %arg6[%dma_start3A_357, %dma_start3A_363] : memref<2x512xi32, #tpu.memory_space<vmem>> -> memref<1x128xi32, #tpu.memory_space<vmem>>
            %dma_start3A_365 = tpu.memref_squeeze %dma_start3A_364 : memref<1x128xi32, #tpu.memory_space<vmem>> -> memref<128xi32, #tpu.memory_space<vmem>>
            %dma_start3A_366 = arith.constant 0 : i32
            %dma_start3A_367 = arith.constant 0 : i32
            %dma_start3A_368 = tpu.memref_slice %arg4[%dma_start3A_366, %dma_start3A_367] : memref<1000000x64xf32, #tpu.memory_space<hbm>> -> memref<1000000x64xf32, #tpu.memory_space<hbm>>
            tpu.enqueue_indirect_dma source(%dma_start3A_368 : memref<1000000x64xf32, #tpu.memory_space<hbm>>) target(%dma_start3A_362 : memref<128x64xf32, #tpu.memory_space<vmem>>) offsets(%dma_start3A_365 : memref<128xi32, #tpu.memory_space<vmem>>) semaphore(%arg11 : memref<!tpu.dma_semaphore, #tpu.memory_space<semaphore_mem>>)
            %dma_start3A_369 = arith.constant 0 : i32
            %dma_start3A_370 = arith.constant 0 : i32
            %dma_start3A_371 = arith.constant 384 : i32
            %dma_start3A_372 = arith.constant 0 : i32
            %dma_start3A_373 = tpu.memref_slice %arg7[%dma_start3A_370, %dma_start3A_371, %dma_start3A_372] : memref<2x512x64xf32, #tpu.memory_space<vmem>> -> memref<1x128x64xf32, #tpu.memory_space<vmem>>
            %dma_start3A_374 = tpu.memref_squeeze %dma_start3A_373 : memref<1x128x64xf32, #tpu.memory_space<vmem>> -> memref<128x64xf32, #tpu.memory_space<vmem>>
            %dma_start3A_375 = arith.constant 384 : i32
            %dma_start3A_376 = tpu.memref_slice %arg6[%dma_start3A_369, %dma_start3A_375] : memref<2x512xi32, #tpu.memory_space<vmem>> -> memref<1x128xi32, #tpu.memory_space<vmem>>
            %dma_start3A_377 = tpu.memref_squeeze %dma_start3A_376 : memref<1x128xi32, #tpu.memory_space<vmem>> -> memref<128xi32, #tpu.memory_space<vmem>>
            %dma_start3A_378 = arith.constant 0 : i32
            %dma_start3A_379 = arith.constant 0 : i32
            %dma_start3A_380 = tpu.memref_slice %arg4[%dma_start3A_378, %dma_start3A_379] : memref<1000000x64xf32, #tpu.memory_space<hbm>> -> memref<1000000x64xf32, #tpu.memory_space<hbm>>
            tpu.enqueue_indirect_dma source(%dma_start3A_380 : memref<1000000x64xf32, #tpu.memory_space<hbm>>) target(%dma_start3A_374 : memref<128x64xf32, #tpu.memory_space<vmem>>) offsets(%dma_start3A_377 : memref<128xi32, #tpu.memory_space<vmem>>) semaphore(%arg11 : memref<!tpu.dma_semaphore, #tpu.memory_space<semaphore_mem>>)
          } else {
          }
          %swap3A_275 = arith.constant 0 : i32
          %swap3A_276 = arith.index_cast %swap3A_275 : i32 to index
          %swap3A_277 = memref.load %arg10[%swap3A_276] : memref<2xi32, #tpu.memory_space<smem>>
          memref.store %add3A_260, %arg10[%swap3A_276] : memref<2xi32, #tpu.memory_space<smem>>
        } else {
        }
        %jit3A = arith.constant 0 : i32
        %select_n3A = arith.select %eq3A_213, %jit3A, %while3A_207 : i32
        %get3A_217 = arith.constant 0 : i32
        %get3A_218 = arith.index_cast %get3A_217 : i32 to index
        %get3A_219 = memref.load %arg10[%get3A_218] : memref<2xi32, #tpu.memory_space<smem>>
        %rem3A_220 = arith.constant 2 : i32
        %rem3A_221 = arith.remsi %get3A_219, %rem3A_220 : i32
        %sub3A_222 = arith.constant 512 : i32
        %sub3A_223 = arith.subi %sub3A_222, %select_n3A : i32
        %min3A = arith.minsi %while3A_206, %sub3A_223 : i32
        %shift_right_arithmetic3A_224 = arith.constant 2 : i32
        %shift_right_arithmetic3A_225 = arith.shrsi %min3A, %shift_right_arithmetic3A_224 : i32
        %while3A_226 = arith.constant 0 : i32
        %while3A_227 = arith.subi %shift_right_arithmetic3A_225, %while3A_226 : i32
        %while3A_228 = arith.addi %while3A_226, %while3A_227 : i32
        %while3A_229 = arith.constant 1 : i32
        %while3A_230 = arith.divsi %while3A_227, %while3A_229 : i32
        %while3A_231 = arith.muli %while3A_230, %while3A_229 : i32
        %while3A_232 = arith.addi %while3A_226, %while3A_231 : i32
        %while3A_233 = arith.constant 1 : i32
        %while3A_234:4 = scf.for %while3A_256 = %while3A_226 to %while3A_232 step %while3A_233 iter_args(%while3A_257 = %while3A_208, %while3A_258 = %while3A_209, %while3A_259 = %while3A_210, %while3A_260 = %while3A_211) -> (vector<16xf32>, vector<16xf32>, vector<16xf32>, vector<16xf32>)  : i32 {
          %mul3A_261 = arith.constant 4 : i32
          %mul3A_262 = arith.muli %while3A_256, %mul3A_261 : i32
          %add3A_263 = arith.addi %select_n3A, %mul3A_262 : i32
          %add3A_264 = arith.constant 0 : i32
          %add3A_265 = arith.addi %add3A_263, %add3A_264 : i32
          %get3A_266 = arith.index_cast %rem3A_221 : i32 to index
          %get3A_267 = arith.index_cast %add3A_265 : i32 to index
          %get3A_268 = arith.constant 0 : index
          %get3A_269 = tpu.vector_load %arg7[%get3A_266, %get3A_267, %get3A_268] {strides = array<i32>} : memref<2x512x64xf32, #tpu.memory_space<vmem>>, vector<16xf32>,
          %add3A_270 = arith.addf %while3A_257, %get3A_269 : vector<16xf32>
          %get3A_271 = arith.index_cast %rem3A_221 : i32 to index
          %get3A_272 = arith.index_cast %add3A_265 : i32 to index
          %get3A_273 = arith.constant 16 : index
          %get3A_274 = tpu.vector_load %arg7[%get3A_271, %get3A_272, %get3A_273] {strides = array<i32>} : memref<2x512x64xf32, #tpu.memory_space<vmem>>, vector<16xf32>,
          %add3A_275 = arith.addf %while3A_258, %get3A_274 : vector<16xf32>
          %get3A_276 = arith.index_cast %rem3A_221 : i32 to index
          %get3A_277 = arith.index_cast %add3A_265 : i32 to index
          %get3A_278 = arith.constant 32 : index
          %get3A_279 = tpu.vector_load %arg7[%get3A_276, %get3A_277, %get3A_278] {strides = array<i32>} : memref<2x512x64xf32, #tpu.memory_space<vmem>>, vector<16xf32>,
          %add3A_280 = arith.addf %while3A_259, %get3A_279 : vector<16xf32>
          %get3A_281 = arith.index_cast %rem3A_221 : i32 to index
          %get3A_282 = arith.index_cast %add3A_265 : i32 to index
          %get3A_283 = arith.constant 48 : index
          %get3A_284 = tpu.vector_load %arg7[%get3A_281, %get3A_282, %get3A_283] {strides = array<i32>} : memref<2x512x64xf32, #tpu.memory_space<vmem>>, vector<16xf32>,
          %add3A_285 = arith.addf %while3A_260, %get3A_284 : vector<16xf32>
          %add3A_286 = arith.constant 1 : i32
          %add3A_287 = arith.addi %add3A_263, %add3A_286 : i32
          %get3A_288 = arith.index_cast %rem3A_221 : i32 to index
          %get3A_289 = arith.index_cast %add3A_287 : i32 to index
          %get3A_290 = arith.constant 0 : index
          %get3A_291 = tpu.vector_load %arg7[%get3A_288, %get3A_289, %get3A_290] {strides = array<i32>} : memref<2x512x64xf32, #tpu.memory_space<vmem>>, vector<16xf32>,
          %add3A_292 = arith.addf %add3A_270, %get3A_291 : vector<16xf32>
          %get3A_293 = arith.index_cast %rem3A_221 : i32 to index
          %get3A_294 = arith.index_cast %add3A_287 : i32 to index
          %get3A_295 = arith.constant 16 : index
          %get3A_296 = tpu.vector_load %arg7[%get3A_293, %get3A_294, %get3A_295] {strides = array<i32>} : memref<2x512x64xf32, #tpu.memory_space<vmem>>, vector<16xf32>,
          %add3A_297 = arith.addf %add3A_275, %get3A_296 : vector<16xf32>
          %get3A_298 = arith.index_cast %rem3A_221 : i32 to index
          %get3A_299 = arith.index_cast %add3A_287 : i32 to index
          %get3A_300 = arith.constant 32 : index
          %get3A_301 = tpu.vector_load %arg7[%get3A_298, %get3A_299, %get3A_300] {strides = array<i32>} : memref<2x512x64xf32, #tpu.memory_space<vmem>>, vector<16xf32>,
          %add3A_302 = arith.addf %add3A_280, %get3A_301 : vector<16xf32>
          %get3A_303 = arith.index_cast %rem3A_221 : i32 to index
          %get3A_304 = arith.index_cast %add3A_287 : i32 to index
          %get3A_305 = arith.constant 48 : index
          %get3A_306 = tpu.vector_load %arg7[%get3A_303, %get3A_304, %get3A_305] {strides = array<i32>} : memref<2x512x64xf32, #tpu.memory_space<vmem>>, vector<16xf32>,
          %add3A_307 = arith.addf %add3A_285, %get3A_306 : vector<16xf32>
          %add3A_308 = arith.constant 2 : i32
          %add3A_309 = arith.addi %add3A_263, %add3A_308 : i32
          %get3A_310 = arith.index_cast %rem3A_221 : i32 to index
          %get3A_311 = arith.index_cast %add3A_309 : i32 to index
          %get3A_312 = arith.constant 0 : index
          %get3A_313 = tpu.vector_load %arg7[%get3A_310, %get3A_311, %get3A_312] {strides = array<i32>} : memref<2x512x64xf32, #tpu.memory_space<vmem>>, vector<16xf32>,
          %add3A_314 = arith.addf %add3A_292, %get3A_313 : vector<16xf32>
          %get3A_315 = arith.index_cast %rem3A_221 : i32 to index
          %get3A_316 = arith.index_cast %add3A_309 : i32 to index
          %get3A_317 = arith.constant 16 : index
          %get3A_318 = tpu.vector_load %arg7[%get3A_315, %get3A_316, %get3A_317] {strides = array<i32>} : memref<2x512x64xf32, #tpu.memory_space<vmem>>, vector<16xf32>,
          %add3A_319 = arith.addf %add3A_297, %get3A_318 : vector<16xf32>
          %get3A_320 = arith.index_cast %rem3A_221 : i32 to index
          %get3A_321 = arith.index_cast %add3A_309 : i32 to index
          %get3A_322 = arith.constant 32 : index
          %get3A_323 = tpu.vector_load %arg7[%get3A_320, %get3A_321, %get3A_322] {strides = array<i32>} : memref<2x512x64xf32, #tpu.memory_space<vmem>>, vector<16xf32>,
          %add3A_324 = arith.addf %add3A_302, %get3A_323 : vector<16xf32>
          %get3A_325 = arith.index_cast %rem3A_221 : i32 to index
          %get3A_326 = arith.index_cast %add3A_309 : i32 to index
          %get3A_327 = arith.constant 48 : index
          %get3A_328 = tpu.vector_load %arg7[%get3A_325, %get3A_326, %get3A_327] {strides = array<i32>} : memref<2x512x64xf32, #tpu.memory_space<vmem>>, vector<16xf32>,
          %add3A_329 = arith.addf %add3A_307, %get3A_328 : vector<16xf32>
          %add3A_330 = arith.constant 3 : i32
          %add3A_331 = arith.addi %add3A_263, %add3A_330 : i32
          %get3A_332 = arith.index_cast %rem3A_221 : i32 to index
          %get3A_333 = arith.index_cast %add3A_331 : i32 to index
          %get3A_334 = arith.constant 0 : index
          %get3A_335 = tpu.vector_load %arg7[%get3A_332, %get3A_333, %get3A_334] {strides = array<i32>} : memref<2x512x64xf32, #tpu.memory_space<vmem>>, vector<16xf32>,
          %add3A_336 = arith.addf %add3A_314, %get3A_335 : vector<16xf32>
          %get3A_337 = arith.index_cast %rem3A_221 : i32 to index
          %get3A_338 = arith.index_cast %add3A_331 : i32 to index
          %get3A_339 = arith.constant 16 : index
          %get3A_340 = tpu.vector_load %arg7[%get3A_337, %get3A_338, %get3A_339] {strides = array<i32>} : memref<2x512x64xf32, #tpu.memory_space<vmem>>, vector<16xf32>,
          %add3A_341 = arith.addf %add3A_319, %get3A_340 : vector<16xf32>
          %get3A_342 = arith.index_cast %rem3A_221 : i32 to index
          %get3A_343 = arith.index_cast %add3A_331 : i32 to index
          %get3A_344 = arith.constant 32 : index
          %get3A_345 = tpu.vector_load %arg7[%get3A_342, %get3A_343, %get3A_344] {strides = array<i32>} : memref<2x512x64xf32, #tpu.memory_space<vmem>>, vector<16xf32>,
          %add3A_346 = arith.addf %add3A_324, %get3A_345 : vector<16xf32>
          %get3A_347 = arith.index_cast %rem3A_221 : i32 to index
          %get3A_348 = arith.index_cast %add3A_331 : i32 to index
          %get3A_349 = arith.constant 48 : index
          %get3A_350 = tpu.vector_load %arg7[%get3A_347, %get3A_348, %get3A_349] {strides = array<i32>} : memref<2x512x64xf32, #tpu.memory_space<vmem>>, vector<16xf32>,
          %add3A_351 = arith.addf %add3A_329, %get3A_350 : vector<16xf32>
          scf.yield %add3A_336, %add3A_341, %add3A_346, %add3A_351 : vector<16xf32>, vector<16xf32>, vector<16xf32>, vector<16xf32>
        }
        %while3A_235 = arith.constant 1 : i32
        %while3A_236:4 = scf.for %while3A_256 = %while3A_232 to %while3A_228 step %while3A_235 iter_args(%while3A_257 = %while3A_234#0, %while3A_258 = %while3A_234#1, %while3A_259 = %while3A_234#2, %while3A_260 = %while3A_234#3) -> (vector<16xf32>, vector<16xf32>, vector<16xf32>, vector<16xf32>)  : i32 {
          %mul3A_261 = arith.constant 4 : i32
          %mul3A_262 = arith.muli %while3A_256, %mul3A_261 : i32
          %add3A_263 = arith.addi %select_n3A, %mul3A_262 : i32
          %add3A_264 = arith.constant 0 : i32
          %add3A_265 = arith.addi %add3A_263, %add3A_264 : i32
          %get3A_266 = arith.index_cast %rem3A_221 : i32 to index
          %get3A_267 = arith.index_cast %add3A_265 : i32 to index
          %get3A_268 = arith.constant 0 : index
          %get3A_269 = tpu.vector_load %arg7[%get3A_266, %get3A_267, %get3A_268] {strides = array<i32>} : memref<2x512x64xf32, #tpu.memory_space<vmem>>, vector<16xf32>,
          %add3A_270 = arith.addf %while3A_257, %get3A_269 : vector<16xf32>
          %get3A_271 = arith.index_cast %rem3A_221 : i32 to index
          %get3A_272 = arith.index_cast %add3A_265 : i32 to index
          %get3A_273 = arith.constant 16 : index
          %get3A_274 = tpu.vector_load %arg7[%get3A_271, %get3A_272, %get3A_273] {strides = array<i32>} : memref<2x512x64xf32, #tpu.memory_space<vmem>>, vector<16xf32>,
          %add3A_275 = arith.addf %while3A_258, %get3A_274 : vector<16xf32>
          %get3A_276 = arith.index_cast %rem3A_221 : i32 to index
          %get3A_277 = arith.index_cast %add3A_265 : i32 to index
          %get3A_278 = arith.constant 32 : index
          %get3A_279 = tpu.vector_load %arg7[%get3A_276, %get3A_277, %get3A_278] {strides = array<i32>} : memref<2x512x64xf32, #tpu.memory_space<vmem>>, vector<16xf32>,
          %add3A_280 = arith.addf %while3A_259, %get3A_279 : vector<16xf32>
          %get3A_281 = arith.index_cast %rem3A_221 : i32 to index
          %get3A_282 = arith.index_cast %add3A_265 : i32 to index
          %get3A_283 = arith.constant 48 : index
          %get3A_284 = tpu.vector_load %arg7[%get3A_281, %get3A_282, %get3A_283] {strides = array<i32>} : memref<2x512x64xf32, #tpu.memory_space<vmem>>, vector<16xf32>,
          %add3A_285 = arith.addf %while3A_260, %get3A_284 : vector<16xf32>
          %add3A_286 = arith.constant 1 : i32
          %add3A_287 = arith.addi %add3A_263, %add3A_286 : i32
          %get3A_288 = arith.index_cast %rem3A_221 : i32 to index
          %get3A_289 = arith.index_cast %add3A_287 : i32 to index
          %get3A_290 = arith.constant 0 : index
          %get3A_291 = tpu.vector_load %arg7[%get3A_288, %get3A_289, %get3A_290] {strides = array<i32>} : memref<2x512x64xf32, #tpu.memory_space<vmem>>, vector<16xf32>,
          %add3A_292 = arith.addf %add3A_270, %get3A_291 : vector<16xf32>
          %get3A_293 = arith.index_cast %rem3A_221 : i32 to index
          %get3A_294 = arith.index_cast %add3A_287 : i32 to index
          %get3A_295 = arith.constant 16 : index
          %get3A_296 = tpu.vector_load %arg7[%get3A_293, %get3A_294, %get3A_295] {strides = array<i32>} : memref<2x512x64xf32, #tpu.memory_space<vmem>>, vector<16xf32>,
          %add3A_297 = arith.addf %add3A_275, %get3A_296 : vector<16xf32>
          %get3A_298 = arith.index_cast %rem3A_221 : i32 to index
          %get3A_299 = arith.index_cast %add3A_287 : i32 to index
          %get3A_300 = arith.constant 32 : index
          %get3A_301 = tpu.vector_load %arg7[%get3A_298, %get3A_299, %get3A_300] {strides = array<i32>} : memref<2x512x64xf32, #tpu.memory_space<vmem>>, vector<16xf32>,
          %add3A_302 = arith.addf %add3A_280, %get3A_301 : vector<16xf32>
          %get3A_303 = arith.index_cast %rem3A_221 : i32 to index
          %get3A_304 = arith.index_cast %add3A_287 : i32 to index
          %get3A_305 = arith.constant 48 : index
          %get3A_306 = tpu.vector_load %arg7[%get3A_303, %get3A_304, %get3A_305] {strides = array<i32>} : memref<2x512x64xf32, #tpu.memory_space<vmem>>, vector<16xf32>,
          %add3A_307 = arith.addf %add3A_285, %get3A_306 : vector<16xf32>
          %add3A_308 = arith.constant 2 : i32
          %add3A_309 = arith.addi %add3A_263, %add3A_308 : i32
          %get3A_310 = arith.index_cast %rem3A_221 : i32 to index
          %get3A_311 = arith.index_cast %add3A_309 : i32 to index
          %get3A_312 = arith.constant 0 : index
          %get3A_313 = tpu.vector_load %arg7[%get3A_310, %get3A_311, %get3A_312] {strides = array<i32>} : memref<2x512x64xf32, #tpu.memory_space<vmem>>, vector<16xf32>,
          %add3A_314 = arith.addf %add3A_292, %get3A_313 : vector<16xf32>
          %get3A_315 = arith.index_cast %rem3A_221 : i32 to index
          %get3A_316 = arith.index_cast %add3A_309 : i32 to index
          %get3A_317 = arith.constant 16 : index
          %get3A_318 = tpu.vector_load %arg7[%get3A_315, %get3A_316, %get3A_317] {strides = array<i32>} : memref<2x512x64xf32, #tpu.memory_space<vmem>>, vector<16xf32>,
          %add3A_319 = arith.addf %add3A_297, %get3A_318 : vector<16xf32>
          %get3A_320 = arith.index_cast %rem3A_221 : i32 to index
          %get3A_321 = arith.index_cast %add3A_309 : i32 to index
          %get3A_322 = arith.constant 32 : index
          %get3A_323 = tpu.vector_load %arg7[%get3A_320, %get3A_321, %get3A_322] {strides = array<i32>} : memref<2x512x64xf32, #tpu.memory_space<vmem>>, vector<16xf32>,
          %add3A_324 = arith.addf %add3A_302, %get3A_323 : vector<16xf32>
          %get3A_325 = arith.index_cast %rem3A_221 : i32 to index
          %get3A_326 = arith.index_cast %add3A_309 : i32 to index
          %get3A_327 = arith.constant 48 : index
          %get3A_328 = tpu.vector_load %arg7[%get3A_325, %get3A_326, %get3A_327] {strides = array<i32>} : memref<2x512x64xf32, #tpu.memory_space<vmem>>, vector<16xf32>,
          %add3A_329 = arith.addf %add3A_307, %get3A_328 : vector<16xf32>
          %add3A_330 = arith.constant 3 : i32
          %add3A_331 = arith.addi %add3A_263, %add3A_330 : i32
          %get3A_332 = arith.index_cast %rem3A_221 : i32 to index
          %get3A_333 = arith.index_cast %add3A_331 : i32 to index
          %get3A_334 = arith.constant 0 : index
          %get3A_335 = tpu.vector_load %arg7[%get3A_332, %get3A_333, %get3A_334] {strides = array<i32>} : memref<2x512x64xf32, #tpu.memory_space<vmem>>, vector<16xf32>,
          %add3A_336 = arith.addf %add3A_314, %get3A_335 : vector<16xf32>
          %get3A_337 = arith.index_cast %rem3A_221 : i32 to index
          %get3A_338 = arith.index_cast %add3A_331 : i32 to index
          %get3A_339 = arith.constant 16 : index
          %get3A_340 = tpu.vector_load %arg7[%get3A_337, %get3A_338, %get3A_339] {strides = array<i32>} : memref<2x512x64xf32, #tpu.memory_space<vmem>>, vector<16xf32>,
          %add3A_341 = arith.addf %add3A_319, %get3A_340 : vector<16xf32>
          %get3A_342 = arith.index_cast %rem3A_221 : i32 to index
          %get3A_343 = arith.index_cast %add3A_331 : i32 to index
          %get3A_344 = arith.constant 32 : index
          %get3A_345 = tpu.vector_load %arg7[%get3A_342, %get3A_343, %get3A_344] {strides = array<i32>} : memref<2x512x64xf32, #tpu.memory_space<vmem>>, vector<16xf32>,
          %add3A_346 = arith.addf %add3A_324, %get3A_345 : vector<16xf32>
          %get3A_347 = arith.index_cast %rem3A_221 : i32 to index
          %get3A_348 = arith.index_cast %add3A_331 : i32 to index
          %get3A_349 = arith.constant 48 : index
          %get3A_350 = tpu.vector_load %arg7[%get3A_347, %get3A_348, %get3A_349] {strides = array<i32>} : memref<2x512x64xf32, #tpu.memory_space<vmem>>, vector<16xf32>,
          %add3A_351 = arith.addf %add3A_329, %get3A_350 : vector<16xf32>
          scf.yield %add3A_336, %add3A_341, %add3A_346, %add3A_351 : vector<16xf32>, vector<16xf32>, vector<16xf32>, vector<16xf32>
        }
        %shift_left3A_237 = arith.constant 2 : i32
        %shift_left3A_238 = arith.shli %shift_right_arithmetic3A_225, %shift_left3A_237 : i32
        %add3A_239 = arith.addi %select_n3A, %shift_left3A_238 : i32
        %shift_left3A_240 = arith.constant 2 : i32
        %shift_left3A_241 = arith.shli %shift_right_arithmetic3A_225, %shift_left3A_240 : i32
        %sub3A_242 = arith.subi %min3A, %shift_left3A_241 : i32
        %while3A_243 = arith.constant 0 : i32
        %while3A_244 = arith.subi %sub3A_242, %while3A_243 : i32
        %while3A_245 = arith.addi %while3A_243, %while3A_244 : i32
        %while3A_246 = arith.constant 1 : i32
        %while3A_247 = arith.divsi %while3A_244, %while3A_246 : i32
        %while3A_248 = arith.muli %while3A_247, %while3A_246 : i32
        %while3A_249 = arith.addi %while3A_243, %while3A_248 : i32
        %while3A_250 = arith.constant 1 : i32
        %while3A_251:4 = scf.for %while3A_256 = %while3A_243 to %while3A_249 step %while3A_250 iter_args(%while3A_257 = %while3A_236#0, %while3A_258 = %while3A_236#1, %while3A_259 = %while3A_236#2, %while3A_260 = %while3A_236#3) -> (vector<16xf32>, vector<16xf32>, vector<16xf32>, vector<16xf32>)  : i32 {
          %add3A_261 = arith.addi %add3A_239, %while3A_256 : i32
          %get3A_262 = arith.index_cast %rem3A_221 : i32 to index
          %get3A_263 = arith.index_cast %add3A_261 : i32 to index
          %get3A_264 = arith.constant 0 : index
          %get3A_265 = tpu.vector_load %arg7[%get3A_262, %get3A_263, %get3A_264] {strides = array<i32>} : memref<2x512x64xf32, #tpu.memory_space<vmem>>, vector<16xf32>,
          %add3A_266 = arith.addf %while3A_257, %get3A_265 : vector<16xf32>
          %get3A_267 = arith.index_cast %rem3A_221 : i32 to index
          %get3A_268 = arith.index_cast %add3A_261 : i32 to index
          %get3A_269 = arith.constant 16 : index
          %get3A_270 = tpu.vector_load %arg7[%get3A_267, %get3A_268, %get3A_269] {strides = array<i32>} : memref<2x512x64xf32, #tpu.memory_space<vmem>>, vector<16xf32>,
          %add3A_271 = arith.addf %while3A_258, %get3A_270 : vector<16xf32>
          %get3A_272 = arith.index_cast %rem3A_221 : i32 to index
          %get3A_273 = arith.index_cast %add3A_261 : i32 to index
          %get3A_274 = arith.constant 32 : index
          %get3A_275 = tpu.vector_load %arg7[%get3A_272, %get3A_273, %get3A_274] {strides = array<i32>} : memref<2x512x64xf32, #tpu.memory_space<vmem>>, vector<16xf32>,
          %add3A_276 = arith.addf %while3A_259, %get3A_275 : vector<16xf32>
          %get3A_277 = arith.index_cast %rem3A_221 : i32 to index
          %get3A_278 = arith.index_cast %add3A_261 : i32 to index
          %get3A_279 = arith.constant 48 : index
          %get3A_280 = tpu.vector_load %arg7[%get3A_277, %get3A_278, %get3A_279] {strides = array<i32>} : memref<2x512x64xf32, #tpu.memory_space<vmem>>, vector<16xf32>,
          %add3A_281 = arith.addf %while3A_260, %get3A_280 : vector<16xf32>
          scf.yield %add3A_266, %add3A_271, %add3A_276, %add3A_281 : vector<16xf32>, vector<16xf32>, vector<16xf32>, vector<16xf32>
        }
        %while3A_252 = arith.constant 1 : i32
        %while3A_253:4 = scf.for %while3A_256 = %while3A_249 to %while3A_245 step %while3A_252 iter_args(%while3A_257 = %while3A_251#0, %while3A_258 = %while3A_251#1, %while3A_259 = %while3A_251#2, %while3A_260 = %while3A_251#3) -> (vector<16xf32>, vector<16xf32>, vector<16xf32>, vector<16xf32>)  : i32 {
          %add3A_261 = arith.addi %add3A_239, %while3A_256 : i32
          %get3A_262 = arith.index_cast %rem3A_221 : i32 to index
          %get3A_263 = arith.index_cast %add3A_261 : i32 to index
          %get3A_264 = arith.constant 0 : index
          %get3A_265 = tpu.vector_load %arg7[%get3A_262, %get3A_263, %get3A_264] {strides = array<i32>} : memref<2x512x64xf32, #tpu.memory_space<vmem>>, vector<16xf32>,
          %add3A_266 = arith.addf %while3A_257, %get3A_265 : vector<16xf32>
          %get3A_267 = arith.index_cast %rem3A_221 : i32 to index
          %get3A_268 = arith.index_cast %add3A_261 : i32 to index
          %get3A_269 = arith.constant 16 : index
          %get3A_270 = tpu.vector_load %arg7[%get3A_267, %get3A_268, %get3A_269] {strides = array<i32>} : memref<2x512x64xf32, #tpu.memory_space<vmem>>, vector<16xf32>,
          %add3A_271 = arith.addf %while3A_258, %get3A_270 : vector<16xf32>
          %get3A_272 = arith.index_cast %rem3A_221 : i32 to index
          %get3A_273 = arith.index_cast %add3A_261 : i32 to index
          %get3A_274 = arith.constant 32 : index
          %get3A_275 = tpu.vector_load %arg7[%get3A_272, %get3A_273, %get3A_274] {strides = array<i32>} : memref<2x512x64xf32, #tpu.memory_space<vmem>>, vector<16xf32>,
          %add3A_276 = arith.addf %while3A_259, %get3A_275 : vector<16xf32>
          %get3A_277 = arith.index_cast %rem3A_221 : i32 to index
          %get3A_278 = arith.index_cast %add3A_261 : i32 to index
          %get3A_279 = arith.constant 48 : index
          %get3A_280 = tpu.vector_load %arg7[%get3A_277, %get3A_278, %get3A_279] {strides = array<i32>} : memref<2x512x64xf32, #tpu.memory_space<vmem>>, vector<16xf32>,
          %add3A_281 = arith.addf %while3A_260, %get3A_280 : vector<16xf32>
          scf.yield %add3A_266, %add3A_271, %add3A_276, %add3A_281 : vector<16xf32>, vector<16xf32>, vector<16xf32>, vector<16xf32>
        }
        %sub3A_254 = arith.subi %while3A_206, %min3A : i32
        %add3A_255 = arith.addi %select_n3A, %min3A : i32
        scf.yield %sub3A_254, %add3A_255, %while3A_253#0, %while3A_253#1, %while3A_253#2, %while3A_253#3 : i32, i32, vector<16xf32>, vector<16xf32>, vector<16xf32>, vector<16xf32>
      }
      %broadcast_in_dim3A_187 = vector.broadcast %sub3A_185 : i32 to vector<16xi32>
      %convert_element_type3A_188 = arith.sitofp %broadcast_in_dim3A_187 : vector<16xi32> to vector<16xf32>
      %max3A = arith.constant 1.000000e+00 : f32
      %max3A_189 = vector.broadcast %max3A : f32 to vector<16xf32>
      %max3A_190 = arith.maximumf %convert_element_type3A_188, %max3A_189 : vector<16xf32>
      %div3A = arith.divf %while3A#2, %max3A_190 : vector<16xf32>
      %swap3A_191 = arith.index_cast %scan3A_177 : i32 to index
      %swap3A_192 = arith.constant 0 : index
      %swap3A_193 = tpu.vector_load %arg9[%swap3A_191, %swap3A_192] {strides = array<i32>} : memref<512x64xf32, #tpu.memory_space<vmem>>, vector<16xf32>,
      tpu.vector_store %arg9[%swap3A_191, %swap3A_192], %div3A {strides = array<i32>} : memref<512x64xf32, #tpu.memory_space<vmem>>, vector<16xf32>,
      %div3A_194 = arith.divf %while3A#3, %max3A_190 : vector<16xf32>
      %swap3A_195 = arith.index_cast %scan3A_177 : i32 to index
      %swap3A_196 = arith.constant 16 : index
      %swap3A_197 = tpu.vector_load %arg9[%swap3A_195, %swap3A_196] {strides = array<i32>} : memref<512x64xf32, #tpu.memory_space<vmem>>, vector<16xf32>,
      tpu.vector_store %arg9[%swap3A_195, %swap3A_196], %div3A_194 {strides = array<i32>} : memref<512x64xf32, #tpu.memory_space<vmem>>, vector<16xf32>,
      %div3A_198 = arith.divf %while3A#4, %max3A_190 : vector<16xf32>
      %swap3A_199 = arith.index_cast %scan3A_177 : i32 to index
      %swap3A_200 = arith.constant 32 : index
      %swap3A_201 = tpu.vector_load %arg9[%swap3A_199, %swap3A_200] {strides = array<i32>} : memref<512x64xf32, #tpu.memory_space<vmem>>, vector<16xf32>,
      tpu.vector_store %arg9[%swap3A_199, %swap3A_200], %div3A_198 {strides = array<i32>} : memref<512x64xf32, #tpu.memory_space<vmem>>, vector<16xf32>,
      %div3A_202 = arith.divf %while3A#5, %max3A_190 : vector<16xf32>
      %swap3A_203 = arith.index_cast %scan3A_177 : i32 to index
      %swap3A_204 = arith.constant 48 : index
      %swap3A_205 = tpu.vector_load %arg9[%swap3A_203, %swap3A_204] {strides = array<i32>} : memref<512x64xf32, #tpu.memory_space<vmem>>, vector<16xf32>,
      tpu.vector_store %arg9[%swap3A_203, %swap3A_204], %div3A_202 {strides = array<i32>} : memref<512x64xf32, #tpu.memory_space<vmem>>, vector<16xf32>,
      scf.yield %while3A#1 : i32
    }
    %scan3A_161 = arith.constant 512 : i32
    %get3A_162 = arith.constant 0 : i32
    %get3A_163 = arith.index_cast %get3A_162 : i32 to index
    %get3A_164 = memref.load %arg10[%get3A_163] : memref<2xi32, #tpu.memory_space<smem>>
    %add3A_165 = arith.constant 1 : i32
    %add3A_166 = arith.addi %get3A_164, %add3A_165 : i32
    %rem3A = arith.constant 2 : i32
    %rem3A_167 = arith.remsi %add3A_166, %rem3A : i32
    %eq3A = arith.constant 0 : i32
    %eq3A_168 = arith.cmpi eq, %rem3A_167, %eq3A : i32
    %convert_element_type3A = arith.extui %eq3A_168 : i1 to i32
    %cond3A = arith.constant 0 : i32
    %cond3A_169 = arith.cmpi ne, %convert_element_type3A, %cond3A : i32
    scf.if %cond3A_169 {
      %dma_wait3A_177 = arith.constant 0 : i32
      %dma_wait3A_178 = arith.constant 0 : i32
      %dma_wait3A_179 = arith.constant 0 : i32
      %dma_wait3A_180 = arith.constant 0 : i32
      %dma_wait3A_181 = tpu.memref_slice %arg7[%dma_wait3A_178, %dma_wait3A_179, %dma_wait3A_180] : memref<2x512x64xf32, #tpu.memory_space<vmem>> -> memref<1x128x64xf32, #tpu.memory_space<vmem>>
      %dma_wait3A_182 = tpu.memref_squeeze %dma_wait3A_181 : memref<1x128x64xf32, #tpu.memory_space<vmem>> -> memref<128x64xf32, #tpu.memory_space<vmem>>
      %dma_wait3A_183 = arith.constant 0 : i32
      %dma_wait3A_184 = tpu.memref_slice %arg6[%dma_wait3A_177, %dma_wait3A_183] : memref<2x512xi32, #tpu.memory_space<vmem>> -> memref<1x128xi32, #tpu.memory_space<vmem>>
      %dma_wait3A_185 = tpu.memref_squeeze %dma_wait3A_184 : memref<1x128xi32, #tpu.memory_space<vmem>> -> memref<128xi32, #tpu.memory_space<vmem>>
      %dma_wait3A_186 = arith.constant 0 : i32
      %dma_wait3A_187 = arith.constant 0 : i32
      %dma_wait3A_188 = tpu.memref_slice %arg4[%dma_wait3A_186, %dma_wait3A_187] : memref<1000000x64xf32, #tpu.memory_space<hbm>> -> memref<1000000x64xf32, #tpu.memory_space<hbm>>
      tpu.wait_indirect_dma semaphore(%arg11 : memref<!tpu.dma_semaphore, #tpu.memory_space<semaphore_mem>>) src(%dma_wait3A_188 : memref<1000000x64xf32, #tpu.memory_space<hbm>>) dst(%dma_wait3A_182 : memref<128x64xf32, #tpu.memory_space<vmem>>)
      %dma_wait3A_189 = arith.constant 0 : i32
      %dma_wait3A_190 = arith.constant 0 : i32
      %dma_wait3A_191 = arith.constant 128 : i32
      %dma_wait3A_192 = arith.constant 0 : i32
      %dma_wait3A_193 = tpu.memref_slice %arg7[%dma_wait3A_190, %dma_wait3A_191, %dma_wait3A_192] : memref<2x512x64xf32, #tpu.memory_space<vmem>> -> memref<1x128x64xf32, #tpu.memory_space<vmem>>
      %dma_wait3A_194 = tpu.memref_squeeze %dma_wait3A_193 : memref<1x128x64xf32, #tpu.memory_space<vmem>> -> memref<128x64xf32, #tpu.memory_space<vmem>>
      %dma_wait3A_195 = arith.constant 128 : i32
      %dma_wait3A_196 = tpu.memref_slice %arg6[%dma_wait3A_189, %dma_wait3A_195] : memref<2x512xi32, #tpu.memory_space<vmem>> -> memref<1x128xi32, #tpu.memory_space<vmem>>
      %dma_wait3A_197 = tpu.memref_squeeze %dma_wait3A_196 : memref<1x128xi32, #tpu.memory_space<vmem>> -> memref<128xi32, #tpu.memory_space<vmem>>
      %dma_wait3A_198 = arith.constant 0 : i32
      %dma_wait3A_199 = arith.constant 0 : i32
      %dma_wait3A_200 = tpu.memref_slice %arg4[%dma_wait3A_198, %dma_wait3A_199] : memref<1000000x64xf32, #tpu.memory_space<hbm>> -> memref<1000000x64xf32, #tpu.memory_space<hbm>>
      tpu.wait_indirect_dma semaphore(%arg11 : memref<!tpu.dma_semaphore, #tpu.memory_space<semaphore_mem>>) src(%dma_wait3A_200 : memref<1000000x64xf32, #tpu.memory_space<hbm>>) dst(%dma_wait3A_194 : memref<128x64xf32, #tpu.memory_space<vmem>>)
      %dma_wait3A_201 = arith.constant 0 : i32
      %dma_wait3A_202 = arith.constant 0 : i32
      %dma_wait3A_203 = arith.constant 256 : i32
      %dma_wait3A_204 = arith.constant 0 : i32
      %dma_wait3A_205 = tpu.memref_slice %arg7[%dma_wait3A_202, %dma_wait3A_203, %dma_wait3A_204] : memref<2x512x64xf32, #tpu.memory_space<vmem>> -> memref<1x128x64xf32, #tpu.memory_space<vmem>>
      %dma_wait3A_206 = tpu.memref_squeeze %dma_wait3A_205 : memref<1x128x64xf32, #tpu.memory_space<vmem>> -> memref<128x64xf32, #tpu.memory_space<vmem>>
      %dma_wait3A_207 = arith.constant 256 : i32
      %dma_wait3A_208 = tpu.memref_slice %arg6[%dma_wait3A_201, %dma_wait3A_207] : memref<2x512xi32, #tpu.memory_space<vmem>> -> memref<1x128xi32, #tpu.memory_space<vmem>>
      %dma_wait3A_209 = tpu.memref_squeeze %dma_wait3A_208 : memref<1x128xi32, #tpu.memory_space<vmem>> -> memref<128xi32, #tpu.memory_space<vmem>>
      %dma_wait3A_210 = arith.constant 0 : i32
      %dma_wait3A_211 = arith.constant 0 : i32
      %dma_wait3A_212 = tpu.memref_slice %arg4[%dma_wait3A_210, %dma_wait3A_211] : memref<1000000x64xf32, #tpu.memory_space<hbm>> -> memref<1000000x64xf32, #tpu.memory_space<hbm>>
      tpu.wait_indirect_dma semaphore(%arg11 : memref<!tpu.dma_semaphore, #tpu.memory_space<semaphore_mem>>) src(%dma_wait3A_212 : memref<1000000x64xf32, #tpu.memory_space<hbm>>) dst(%dma_wait3A_206 : memref<128x64xf32, #tpu.memory_space<vmem>>)
      %dma_wait3A_213 = arith.constant 0 : i32
      %dma_wait3A_214 = arith.constant 0 : i32
      %dma_wait3A_215 = arith.constant 384 : i32
      %dma_wait3A_216 = arith.constant 0 : i32
      %dma_wait3A_217 = tpu.memref_slice %arg7[%dma_wait3A_214, %dma_wait3A_215, %dma_wait3A_216] : memref<2x512x64xf32, #tpu.memory_space<vmem>> -> memref<1x128x64xf32, #tpu.memory_space<vmem>>
      %dma_wait3A_218 = tpu.memref_squeeze %dma_wait3A_217 : memref<1x128x64xf32, #tpu.memory_space<vmem>> -> memref<128x64xf32, #tpu.memory_space<vmem>>
      %dma_wait3A_219 = arith.constant 384 : i32
      %dma_wait3A_220 = tpu.memref_slice %arg6[%dma_wait3A_213, %dma_wait3A_219] : memref<2x512xi32, #tpu.memory_space<vmem>> -> memref<1x128xi32, #tpu.memory_space<vmem>>
      %dma_wait3A_221 = tpu.memref_squeeze %dma_wait3A_220 : memref<1x128xi32, #tpu.memory_space<vmem>> -> memref<128xi32, #tpu.memory_space<vmem>>
      %dma_wait3A_222 = arith.constant 0 : i32
      %dma_wait3A_223 = arith.constant 0 : i32
      %dma_wait3A_224 = tpu.memref_slice %arg4[%dma_wait3A_222, %dma_wait3A_223] : memref<1000000x64xf32, #tpu.memory_space<hbm>> -> memref<1000000x64xf32, #tpu.memory_space<hbm>>
      tpu.wait_indirect_dma semaphore(%arg11 : memref<!tpu.dma_semaphore, #tpu.memory_space<semaphore_mem>>) src(%dma_wait3A_224 : memref<1000000x64xf32, #tpu.memory_space<hbm>>) dst(%dma_wait3A_218 : memref<128x64xf32, #tpu.memory_space<vmem>>)
    } else {
    }
    %rem3A_170 = arith.constant 2 : i32
    %rem3A_171 = arith.remsi %add3A_166, %rem3A_170 : i32
    %eq3A_172 = arith.constant 1 : i32
    %eq3A_173 = arith.cmpi eq, %rem3A_171, %eq3A_172 : i32
    %convert_element_type3A_174 = arith.extui %eq3A_173 : i1 to i32
    %cond3A_175 = arith.constant 0 : i32
    %cond3A_176 = arith.cmpi ne, %convert_element_type3A_174, %cond3A_175 : i32
    scf.if %cond3A_176 {
      %dma_wait3A_177 = arith.constant 1 : i32
      %dma_wait3A_178 = arith.constant 1 : i32
      %dma_wait3A_179 = arith.constant 0 : i32
      %dma_wait3A_180 = arith.constant 0 : i32
      %dma_wait3A_181 = tpu.memref_slice %arg7[%dma_wait3A_178, %dma_wait3A_179, %dma_wait3A_180] : memref<2x512x64xf32, #tpu.memory_space<vmem>> -> memref<1x128x64xf32, #tpu.memory_space<vmem>>
      %dma_wait3A_182 = tpu.memref_squeeze %dma_wait3A_181 : memref<1x128x64xf32, #tpu.memory_space<vmem>> -> memref<128x64xf32, #tpu.memory_space<vmem>>
      %dma_wait3A_183 = arith.constant 0 : i32
      %dma_wait3A_184 = tpu.memref_slice %arg6[%dma_wait3A_177, %dma_wait3A_183] : memref<2x512xi32, #tpu.memory_space<vmem>> -> memref<1x128xi32, #tpu.memory_space<vmem>>
      %dma_wait3A_185 = tpu.memref_squeeze %dma_wait3A_184 : memref<1x128xi32, #tpu.memory_space<vmem>> -> memref<128xi32, #tpu.memory_space<vmem>>
      %dma_wait3A_186 = arith.constant 0 : i32
      %dma_wait3A_187 = arith.constant 0 : i32
      %dma_wait3A_188 = tpu.memref_slice %arg4[%dma_wait3A_186, %dma_wait3A_187] : memref<1000000x64xf32, #tpu.memory_space<hbm>> -> memref<1000000x64xf32, #tpu.memory_space<hbm>>
      tpu.wait_indirect_dma semaphore(%arg12 : memref<!tpu.dma_semaphore, #tpu.memory_space<semaphore_mem>>) src(%dma_wait3A_188 : memref<1000000x64xf32, #tpu.memory_space<hbm>>) dst(%dma_wait3A_182 : memref<128x64xf32, #tpu.memory_space<vmem>>)
      %dma_wait3A_189 = arith.constant 1 : i32
      %dma_wait3A_190 = arith.constant 1 : i32
      %dma_wait3A_191 = arith.constant 128 : i32
      %dma_wait3A_192 = arith.constant 0 : i32
      %dma_wait3A_193 = tpu.memref_slice %arg7[%dma_wait3A_190, %dma_wait3A_191, %dma_wait3A_192] : memref<2x512x64xf32, #tpu.memory_space<vmem>> -> memref<1x128x64xf32, #tpu.memory_space<vmem>>
      %dma_wait3A_194 = tpu.memref_squeeze %dma_wait3A_193 : memref<1x128x64xf32, #tpu.memory_space<vmem>> -> memref<128x64xf32, #tpu.memory_space<vmem>>
      %dma_wait3A_195 = arith.constant 128 : i32
      %dma_wait3A_196 = tpu.memref_slice %arg6[%dma_wait3A_189, %dma_wait3A_195] : memref<2x512xi32, #tpu.memory_space<vmem>> -> memref<1x128xi32, #tpu.memory_space<vmem>>
      %dma_wait3A_197 = tpu.memref_squeeze %dma_wait3A_196 : memref<1x128xi32, #tpu.memory_space<vmem>> -> memref<128xi32, #tpu.memory_space<vmem>>
      %dma_wait3A_198 = arith.constant 0 : i32
      %dma_wait3A_199 = arith.constant 0 : i32
      %dma_wait3A_200 = tpu.memref_slice %arg4[%dma_wait3A_198, %dma_wait3A_199] : memref<1000000x64xf32, #tpu.memory_space<hbm>> -> memref<1000000x64xf32, #tpu.memory_space<hbm>>
      tpu.wait_indirect_dma semaphore(%arg12 : memref<!tpu.dma_semaphore, #tpu.memory_space<semaphore_mem>>) src(%dma_wait3A_200 : memref<1000000x64xf32, #tpu.memory_space<hbm>>) dst(%dma_wait3A_194 : memref<128x64xf32, #tpu.memory_space<vmem>>)
      %dma_wait3A_201 = arith.constant 1 : i32
      %dma_wait3A_202 = arith.constant 1 : i32
      %dma_wait3A_203 = arith.constant 256 : i32
      %dma_wait3A_204 = arith.constant 0 : i32
      %dma_wait3A_205 = tpu.memref_slice %arg7[%dma_wait3A_202, %dma_wait3A_203, %dma_wait3A_204] : memref<2x512x64xf32, #tpu.memory_space<vmem>> -> memref<1x128x64xf32, #tpu.memory_space<vmem>>
      %dma_wait3A_206 = tpu.memref_squeeze %dma_wait3A_205 : memref<1x128x64xf32, #tpu.memory_space<vmem>> -> memref<128x64xf32, #tpu.memory_space<vmem>>
      %dma_wait3A_207 = arith.constant 256 : i32
      %dma_wait3A_208 = tpu.memref_slice %arg6[%dma_wait3A_201, %dma_wait3A_207] : memref<2x512xi32, #tpu.memory_space<vmem>> -> memref<1x128xi32, #tpu.memory_space<vmem>>
      %dma_wait3A_209 = tpu.memref_squeeze %dma_wait3A_208 : memref<1x128xi32, #tpu.memory_space<vmem>> -> memref<128xi32, #tpu.memory_space<vmem>>
      %dma_wait3A_210 = arith.constant 0 : i32
      %dma_wait3A_211 = arith.constant 0 : i32
      %dma_wait3A_212 = tpu.memref_slice %arg4[%dma_wait3A_210, %dma_wait3A_211] : memref<1000000x64xf32, #tpu.memory_space<hbm>> -> memref<1000000x64xf32, #tpu.memory_space<hbm>>
      tpu.wait_indirect_dma semaphore(%arg12 : memref<!tpu.dma_semaphore, #tpu.memory_space<semaphore_mem>>) src(%dma_wait3A_212 : memref<1000000x64xf32, #tpu.memory_space<hbm>>) dst(%dma_wait3A_206 : memref<128x64xf32, #tpu.memory_space<vmem>>)
      %dma_wait3A_213 = arith.constant 1 : i32
      %dma_wait3A_214 = arith.constant 1 : i32
      %dma_wait3A_215 = arith.constant 384 : i32
      %dma_wait3A_216 = arith.constant 0 : i32
      %dma_wait3A_217 = tpu.memref_slice %arg7[%dma_wait3A_214, %dma_wait3A_215, %dma_wait3A_216] : memref<2x512x64xf32, #tpu.memory_space<vmem>> -> memref<1x128x64xf32, #tpu.memory_space<vmem>>
      %dma_wait3A_218 = tpu.memref_squeeze %dma_wait3A_217 : memref<1x128x64xf32, #tpu.memory_space<vmem>> -> memref<128x64xf32, #tpu.memory_space<vmem>>
      %dma_wait3A_219 = arith.constant 384 : i32
      %dma_wait3A_220 = tpu.memref_slice %arg6[%dma_wait3A_213, %dma_wait3A_219] : memref<2x512xi32, #tpu.memory_space<vmem>> -> memref<1x128xi32, #tpu.memory_space<vmem>>
      %dma_wait3A_221 = tpu.memref_squeeze %dma_wait3A_220 : memref<1x128xi32, #tpu.memory_space<vmem>> -> memref<128xi32, #tpu.memory_space<vmem>>
      %dma_wait3A_222 = arith.constant 0 : i32
      %dma_wait3A_223 = arith.constant 0 : i32
      %dma_wait3A_224 = tpu.memref_slice %arg4[%dma_wait3A_222, %dma_wait3A_223] : memref<1000000x64xf32, #tpu.memory_space<hbm>> -> memref<1000000x64xf32, #tpu.memory_space<hbm>>
      tpu.wait_indirect_dma semaphore(%arg12 : memref<!tpu.dma_semaphore, #tpu.memory_space<semaphore_mem>>) src(%dma_wait3A_224 : memref<1000000x64xf32, #tpu.memory_space<hbm>>) dst(%dma_wait3A_218 : memref<128x64xf32, #tpu.memory_space<vmem>>)
    } else {
    }
    "tpu.region"() ({
      %run_scoped3A_177 = tpu.sem_alloc : memref<!tpu.dma_semaphore, #tpu.memory_space<semaphore_mem>>
      %dma_start3A_178 = arith.constant 0 : i32
      %dma_start3A_179 = tpu.memref_slice %arg5[%mul3A_2, %dma_start3A_178] : memref<16384x64xf32, #tpu.memory_space<hbm>> -> memref<512x64xf32, #tpu.memory_space<hbm>>
      %dma_start3A_180 = arith.constant 0 : i32
      %dma_start3A_181 = tpu.memref_slice %arg5[%mul3A_2, %dma_start3A_180] : memref<16384x64xf32, #tpu.memory_space<hbm>> -> memref<512x64xf32, #tpu.memory_space<hbm>>
      tpu.enqueue_dma source(%arg9 : memref<512x64xf32, #tpu.memory_space<vmem>>) target(%dma_start3A_181 : memref<512x64xf32, #tpu.memory_space<hbm>>) target_semaphore(%run_scoped3A_177 : memref<!tpu.dma_semaphore, #tpu.memory_space<semaphore_mem>>)
      %dma_wait3A_182 = arith.constant 0 : i32
      %dma_wait3A_183 = tpu.memref_slice %arg5[%mul3A_2, %dma_wait3A_182] : memref<16384x64xf32, #tpu.memory_space<hbm>> -> memref<512x64xf32, #tpu.memory_space<hbm>>
      %dma_wait3A_184 = arith.constant 0 : i32
      %dma_wait3A_185 = tpu.memref_slice %arg5[%mul3A_2, %dma_wait3A_184] : memref<16384x64xf32, #tpu.memory_space<hbm>> -> memref<512x64xf32, #tpu.memory_space<hbm>>
      tpu.wait_dma2 semaphore(%run_scoped3A_177 : memref<!tpu.dma_semaphore, #tpu.memory_space<semaphore_mem>>) src(%arg9 : memref<512x64xf32, #tpu.memory_space<vmem>>) dst(%dma_wait3A_185 : memref<512x64xf32, #tpu.memory_space<hbm>>)
      tpu.yield
    }) : () -> ()
    return
  }
}

</mosaic_0001>

<sc_bundles>
// kernel: kernel.3.cloned.1.call-start
scs
__scs_entry_jumppad:
0x0: {  	(pc) =	sbr.rel $0x88, $3  }
0x1: {  	(tag) =	ssettag $0x0;
	lr =	simm.s32 $0x1  }
0x2: {  	[smem:$0x3F9E] =	sst lr;
	_ =	strace $0xD0000000  }
0x3: {  	_ = 	snop  }
0x4: {  	_ = 	snop  }
0x5: {  	_ = 	snop  }
0x6: {  	_ = 	snop  }
0x7: {  	_ = 	snop  }
__scs_overlays_trampoline_lowered:
0x8: {  	[smem:$0x3FAD] =	sst s0  }
0x9: {  	[smem:$0x3FAE] =	sst s1  }
0xa: {  	[smem:$0x3FAF] =	sst s2  }
0xb: {  	[smem:$0x3FB0] =	sst s3  }
0xc: {  	[smem:$0x3FB1] =	sst s4  }
0xd: {  	[smem:$0x3FB2] =	sst s5  }
0xe: {  	[smem:$0x3FB3] =	sst s6  }
0xf: {  	[smem:$0x3FB4] =	sst s7  }
0x10: {  	[smem:$0x3FB5] =	sst s8  }
0x11: {  	[smem:$0x3FB6] =	sst s9;
	s0 =	simm.s32 @!p0 $0x0  }
0x12: {  	s1 =	sld [smem:$0x3F9C];
	s0 =	simm.s32 @p0 $0x1  }
0x13: {  	[smem:$0x3FB7] =	sst s0;
	s0 =	simm.s32 @!p1 $0x0  }
0x14: {  	s2 =	sld [smem:$0x3F9B];
	s0 =	simm.s32 @p1 $0x1  }
0x15: {  	[smem:$0x3FB8] =	sst s0;
	s0 =	simm.s32 @!p2 $0x0  }
0x16: {  	s3 =	sld [smem:$0x3FDB];
	s0 =	simm.s32 @p2 $0x1  }
0x17: {  	s4 =	simm.s32 $0x1BF5;
	[smem:$0x3FBA] =	sst s0  }
0x18: {  	s0 =	sld [smem:$0x3F9D];
	_ =	swait.ge [sflag:s4], $0x0  }
0x19: {  	s7 =	sld [smem:$0x3F9E]  }
0x1a: {  	s8 =	sadd.s32 $0xFFFFE003, lr  }
0x1b: {  	s9 =	sadd.s32 $0xFFFFFEF7, lr;
	s5 =	simm.s32 $0xFFFFFFFF;
	p2 =	slt.u32 s8, $0xFFFFF086  }
0x1c: {  	p1 =	slt.u32 s9, $0xF7A;
	s5 =	simm.s32 @!p2 $0x0  }
0x1d: {  	s5 =	simm.s32 @p1 $0x1;
	p0 =	seq.s32 s7, s2  }
0x1e: {  	s7 =	smul.u32 @!p0 $0xF7A, s2;
	p2 =	seq.s32 @!p0 s5, $0x0  }
0x1f: {  	s9 =	smul.u32 $0xF7A, s1;
	s8 =	simm.s32 @!p0 $0x1BF5;
	p2 =	por !p2, p0  }
0x20: {  	[sflag:s8] =	ssyncset.s32 @!p0 $0xFFFFF086;
	s6 =	sadd.s32 @!p0 s3, s7;
	s7 =	simm.s32 @!p0 $0x108  }
0x21: {  	s3 =	sadd.s32 s3, s9;
	s6 =	sadd.s32 @!p0 $0x88, s6;
	s7 =	simm.s32 @p2 $0x1082  }
0x22: {  	[simem:s7], [sflag:s8] =	dma.local @!p0 [hbm:s6], $0xF7A  }
0x23: {  	s9 =	sor.u32 $0xD0000000, s2;
	s6 =	simm.s32 $0x108;
	_ =	swait.ge @!p0 [sflag:s8], $0x0  }
0x24: {  	s3 =	sadd.s32 $0x88, s3;
	s6 =	simm.s32 @!p1 $0x1082;
	[sflag:s4] =	ssyncset.s32 $0xFFFFF086  }
0x25: {  	[simem:s6], [sflag:s4] =	dma.local [hbm:s3], $0xF7A  }
0x26: {  	[smem:$0x3F9E] =	sst s1;
	(tag) =	ssettag s2;
	_ =	strace s9  }
0x27: {  	s1 =	sld [smem:$0x3FAE]  }
0x28: {  	s2 =	sld [smem:$0x3FAF]  }
0x29: {  	s4 =	sld [smem:$0x3FB1]  }
0x2a: {  	p0 =	seq.s32 s5, $0x0;
	s5 =	sld [smem:$0x3FB2]  }
0x2b: {  	s6 =	sld [smem:$0x3FB3]  }
0x2c: {  	s7 =	sld [smem:$0x3FB4]  }
0x2d: {  	s3 =	simm.s32 $0x108;
	s8 =	sld [smem:$0x3FB5]  }
0x2e: {  	s3 =	simm.s32 @!p0 $0x1082;
	s9 =	sld [smem:$0x3FB6]  }
0x2f: {  	lr =	sadd.s32 s0, s3;
	s0 =	sld [smem:$0x3FAD]  }
0x30: {  	s3 =	sld [smem:$0x3FB0]  }
0x31: {  	[smem:$0x3FB9] =	sst s10  }
0x32: {  	s10 =	sld [smem:$0x3FB7];
	_ =	sdelay $0x3  }
0x33: {  	p0 =	seq.s32 s10, $0x1;
	s10 =	sld [smem:$0x3FB9];
	_ =	sdelay $0x3  }
0x34: {  	[smem:$0x3FB9] =	sst s10  }
0x35: {  	s10 =	sld [smem:$0x3FB8];
	_ =	sdelay $0x3  }
0x36: {  	p1 =	seq.s32 s10, $0x1;
	s10 =	sld [smem:$0x3FB9];
	_ =	sdelay $0x3  }
0x37: {  	[smem:$0x3FB9] =	sst s10  }
0x38: {  	s10 =	sld [smem:$0x3FBA]  }
0x39: {  	_ = 	snop;
	(pc) =	sbr.ind lr, $3  }
0x3a: {  	_ = 	snop  }
0x3b: {  	_ = 	snop  }
0x3c: {  	p2 =	seq.s32 s10, $0x1;
	s10 =	sld [smem:$0x3FB9]  }
0x3d: {  	_ =	shalt  }
0x3e: {  	_ =	shalt  }
0x3f: {  	_ =	shalt  }
0x40: {  	_ =	shalt  }
0x41: {  	_ =	shalt  }
0x42: {  	_ =	shalt  }
0x43: {  	_ =	shalt  }
0x44: {  	_ =	shalt  }
0x45: {  	_ =	shalt  }
0x46: {  	_ =	shalt  }
0x47: {  	_ =	shalt  }
0x48: {  	_ =	shalt  }
0x49: {  	_ =	shalt  }
0x4a: {  	_ =	shalt  }
0x4b: {  	_ =	shalt  }
0x4c: {  	_ =	shalt  }
0x4d: {  	_ =	shalt  }
0x4e: {  	_ =	shalt  }
0x4f: {  	_ =	shalt  }
0x50: {  	_ =	shalt  }
0x51: {  	_ =	shalt  }
0x52: {  	_ =	shalt  }
0x53: {  	_ =	shalt  }
0x54: {  	_ =	shalt  }
0x55: {  	_ =	shalt  }
0x56: {  	_ =	shalt  }
0x57: {  	_ =	shalt  }
0x58: {  	_ =	shalt  }
0x59: {  	_ =	shalt  }
0x5a: {  	_ =	shalt  }
0x5b: {  	_ =	shalt  }
0x5c: {  	_ =	shalt  }
0x5d: {  	_ =	shalt  }
0x5e: {  	_ =	shalt  }
0x5f: {  	_ =	shalt  }
0x60: {  	_ =	shalt  }
0x61: {  	_ =	shalt  }
0x62: {  	_ =	shalt  }
0x63: {  	_ =	shalt  }
0x64: {  	_ =	shalt  }
0x65: {  	_ =	shalt  }
0x66: {  	_ =	shalt  }
0x67: {  	_ =	shalt  }
0x68: {  	_ =	shalt  }
0x69: {  	_ =	shalt  }
0x6a: {  	_ =	shalt  }
0x6b: {  	_ =	shalt  }
0x6c: {  	_ =	shalt  }
0x6d: {  	_ =	shalt  }
0x6e: {  	_ =	shalt  }
0x6f: {  	_ =	shalt  }
0x70: {  	_ =	shalt  }
0x71: {  	_ =	shalt  }
0x72: {  	_ =	shalt  }
0x73: {  	_ =	shalt  }
0x74: {  	_ =	shalt  }
0x75: {  	_ =	shalt  }
0x76: {  	_ =	shalt  }
0x77: {  	_ =	shalt  }
0x78: {  	_ =	shalt  }
0x79: {  	_ =	shalt  }
0x7a: {  	_ =	shalt  }
0x7b: {  	_ =	shalt  }
0x7c: {  	_ =	shalt  }
0x7d: {  	_ =	shalt  }
0x7e: {  	_ =	shalt  }
0x7f: {  	_ =	shalt  }
0x80: {  	_ =	shalt  }
0x81: {  	_ =	shalt  }
0x82: {  	_ =	shalt  }
0x83: {  	_ =	shalt  }
0x84: {  	_ =	shalt  }
0x85: {  	_ =	shalt  }
0x86: {  	_ =	shalt  }
0x87: {  	_ =	shalt  }
.Lfunc_end0:
.L_simem_size_0:
called_computation_lowered:
.L_overlay_start_0:
0x88: {  	s2 =	sld [smem:$0x3FD9]  }
0x89: {  	s3 =	sld [smem:$0x3FFE];
	_ =	sdelay $0x1  }
0x8a: {  	s1 =	srdreg.scid  }
0x8b: {  	s0 =	sand.u32 $0x1, s1  }
0x8c: {  	s17 =	sshll.u32 s0, $0xA;
	s2 =	sadd.s32 s3, s2  }
0x8d: {  	s2 =	sadd.s32 s2, s17  }
0x8e: {  	[smem:$0x3FC5] =	sst s2  }
0x8f: {  	_ = 	snop  }
0x90: {  	s2 =	sld [smem:$0x3FD0];
	(tm) =	ssettm $0x1  }
0x91: {  	s18 =	sld [smem:$0x3FFB];
	_ =	sdelay $0x3  }
0x92: {  	_ =	strace s18  }
0x93: {  	s3 =	sld [smem:$0x3FFC];
	_ =	sdelay $0x3  }
0x94: {  	_ =	strace s3  }
0x95: {  	s3 =	sld [smem:$0x3FFD];
	_ =	sdelay $0x3  }
0x96: {  	_ =	strace s3  }
0x97: {  	_ =	strace $0x8FFFFFFF  }
0x98: {  	s19 =	sld [smem:$0x3FDB];
	_ =	sdelay $0x1  }
0x99: {  	s4 =	simm.s32 $_scs_section_size  }
0x9a: {  	s5 =	simm.s32 $_size__tile_overlayer_lowered;
	s6 =	simm.s32 $_tile_overlayer_lowered  }
0x9b: {  	s22 =	simm.s32 $0x1BFF;
	s21 =	sshll.u32 s6, $0x1;
	s3 =	sadd.s32 s4, s19  }
0x9c: {  	s7 =	simm.s32 $0x0;
	s20 =	sshll.u32 s5, $0x1;
	s5 =	sadd.s32 s21, s3  }
0x9d: {  	[timem:s7], [sflag:s22] =	dma.local [hbm:s5], s20  }
0x9e: {  	_ =	swait.ge [sflag:s22], s20  }
0x9f: {  	s4 =	ssub.s32 $0x0, s20;
	[sflag:s22] =	ssyncset.done $0x0  }
0xa0: {  	[sflag:s22] =	ssyncadd.s32 s4;
	_ =	sdelay $0x1  }
0xa1: {  	s23 =	simm.s32 $0x1B8B  }
0xa2: {  	_ =	swait.ge [sflag:s23], $0x1  }
0xa3: {  	[sflag:s23] =	ssyncset.done $0x0  }
0xa4: {  	s25 =	simm.s32 $0x1B8E;
	s24 =	sld [smem:$0x3FFE];
	[sflag:s23] =	ssyncadd.s32 $0xFFFFFFFF  }
0xa5: {  	s26 =	simm.s32 $execute0_lowered;
	[smem:$0x3FD2] =	sst s25  }
0xa6: {  	s5 =	sshll.u32 s26, $0x1;
	_ =	strace $0x80000046;
	[dreg:$0x1] =	wrdreg $0xFFFFFFFF  }
0xa7: {  	s28 =	simm.s32 $_size_execute0_lowered;
	s3 =	sadd.s32 s3, s5;
	[dreg:$0x0] =	wrdreg $0x0  }
0xa8: {  	s5 =	sshll.u32 s28, $0x1;
	[dreg:$0x2] =	wrdreg s3  }
0xa9: {  	[dreg:$0x3] =	wrdreg s5  }
0xaa: {  	[dreg:$0x4] =	wrdreg $0xC0  }
0xab: {  	_ =	task [dreg:s7], $0x5FFFF  }
0xac: {  	[dreg:$0x1] =	wrdreg $0xFFFFFFFF  }
0xad: {  	[dreg:$0x0] =	wrdreg $0x60  }
0xae: {  	[dreg:$0x2] =	wrdreg s24  }
0xaf: {  	[dreg:$0x3] =	wrdreg s2  }
0xb0: {  	[dreg:$0x4] =	wrdreg $0x9  }
0xb1: {  	_ =	task.clear_ibuf [dreg:s7], $0x5FFFF;
	_ =	strace $0x90000046  }
0xb2: {  	s29 =	simm.s32 $0x9;
	_ =	strace $0x80000048  }
0xb3: {  	_ =	swait.ge [sflag:s29], $0x1  }
0xb4: {  	[sflag:s29] =	ssyncadd.s32 $0xFFFFFFFF  }
0xb5: {  	_ =	strace $0x90000048  }
0xb6: {  	_ =	sfence  }
0xb7: {  	s30 =	sld [smem:$0x0];
	_ =	sdelay $0x2  }
0xb8: {  	s31 =	sshll.u32 s1, $0xD;
	s1 =	sshrl.u32 s1, $0x2  }
0xb9: {  	s3 =	sand.u32 $0x4000, s31;
	s1 =	sadd.s32 s1, s30  }
0xba: {  	s0 =	sor.u32 s3, s0;
	s1 =	sshll.u32 s1, $0x11  }
0xbb: {  	s0 =	sor.u32 s1, s0  }
0xbc: {  	s0 =	sadd.s32 $0x8F2B, s0  }
0xbd: {  	[sflag:s0] =	ssyncadd.remote.s32 $0x1  }
0xbe: {  	_ =	sfence.sel $0xFFFF  }
0xbf: {  	[dreg:$0x0] =	wrdreg $0xFFFFFFFF;
	(pc) =	sbr.abs _section_cstart, $3  }
0xc0: {  	[dreg:$0x1] =	wrdreg $0xFFFFFFFF  }
0xc1: {  	_ =	task.clear_ibuf [dreg:s7], $0x2FFFF;
	_ =	strace $0x9FFFFFFF  }
0xc2: {  	(tm) =	ssettm $0x7FFFFFFF  }
0xc3: {  	_ =	shalt  }
tec
execute0_lowered:
.L_overlay_start_1:
0x0: {  	(tag) =	ssettag $0x1  }
0x1: {  	s0 =	rddreg [dreg:$0x0]  }
0x2: {  	s1 =	rddreg [dreg:$0x1]  }
0x3: {  	s2 =	srdreg.scid;
	s5 =	stileid.u32  }
0x4: {  	s9 =	simm.s32 $0x3;
	s10 =	simm.s32 $0x80;
	s16 =	simm.s32 $0x6400  }
0x5: {  	s17 =	simm.s32 $0x200;
	s18 =	simm.s32 $0x8400;
	s19 =	simm.s32 $0x280  }
0x6: {  	s20 =	simm.s32 $0xA400;
	s21 =	simm.s32 $0x300;
	s22 =	simm.s32 $0xC400  }
0x7: {  	s23 =	simm.s32 $0x380;
	s24 =	simm.s32 $0xE400;
	s25 =	simm.s32 $0x1  }
0x8: {  	s26 =	simm.s32 $0x10620;
	s28 =	simm.s32 $0x0;
	s4 =	sand.u32 $0x1, s2  }
0x9: {  	s2 =	simm.s32 $0x0;
	s5 =	sshll.u32 s5, $0x9;
	s3 =	sshll.u32 s4, $0xD  }
.Ltmp0:
0xa: {  	[smem:$0x7FF] =	sst s2;
	s7 =	ssub.s32 $0x2, s4;
	(pc) =	sbr.rel .LBB2_1-.Ltmp0, $4  }
0xb: {  	s4 =	sadd.s32 $0xF42C00, s0;
	s5 =	sor.u32 s5, s3;
	_ =	strace $0x80000047  }
0xc: {  	s3 =	sadd.s32 $0x800, s0;
	s31 =	sshrl.u32 s7, $0x1;
	s6 =	sshrl.u32 s5, $0x3  }
0xd: {  	s8 =	sshll.u32 s5, $0x3;
	s6 =	sadd.s32 s6, s0;
	s0 =	ssub.s32 s7, s31  }
0xe: {  	s5 =	sadd.s32 $0x5A00, s6;
	s6 =	sadd.s32 s1, s8;
	s7 =	smax.u32 s0, $0x1  }
.LBB2_17:
0xf: {  	s0 =	simm.s32 $0x1  }
.LBB2_20:
0x10: {  	_ =	swait.ge [sflag:s0], $0x2000  }
0x11: {  	[sflag:s0] =	ssyncset.done $0x0  }
0x12: {  	[sflag:s0] =	ssyncadd.s32 $0xFFFFE000  }
0x13: {  	_ =	swait.ge [sflag:s0], $0x2000  }
0x14: {  	[sflag:s0] =	ssyncset.done $0x0  }
0x15: {  	[sflag:s0] =	ssyncadd.s32 $0xFFFFE000  }
0x16: {  	_ =	swait.ge [sflag:s0], $0x2000  }
0x17: {  	[sflag:s0] =	ssyncset.done $0x0  }
0x18: {  	[sflag:s0] =	ssyncadd.s32 $0xFFFFE000  }
0x19: {  	_ =	swait.ge [sflag:s0], $0x2000  }
0x1a: {  	[sflag:s0] =	ssyncset.done $0x0  }
0x1b: {  	[sflag:s0] =	ssyncadd.s32 $0xFFFFE000  }
.LBB2_21:
0x1c: {  	s28 =	sadd.s32 $0x1, s28  }
0x1d: {  	p0 =	sne.s32 s28, s7  }
.Ltmp1:
0x1e: {  	_ = 	snop;
	(pc) =	sbr.rel @!p0 .LBB2_22-.Ltmp1, $4  }
0x1f: {  	[hbm4b:s6+s2] =	stream.linear.scatter [tilespmem:s26], [sflag:$0x3], $0x8000, $0x38;
	[tilespmem:$0x18620] =	vst v63  }
0x20: {  	_ =	swait.ge [sflag:s9], $0x8000  }
0x21: {  	[sflag:s9] =	ssyncset.done $0x0  }
0x22: {  	[sflag:s9] =	ssyncadd.s32 $0xFFFF8000  }
.LBB2_1:
0x23: {  	s0 =	simm.s32 $0x10400  }
0x24: {  	[tilespmem:s0], [sflag:$0x3] =	stream.linear.gather [hbm4b:s5+s2], $0x220, $0x38;
	[tilespmem:$0x18620] =	vst v63  }
0x25: {  	_ =	swait.ge [sflag:s9], $0x220  }
0x26: {  	[sflag:s9] =	ssyncset.done $0x0  }
0x27: {  	[sflag:s9] =	ssyncadd.s32 $0xFFFFFDE0  }
0x28: {  	v0 =	vld [tilespmem:$0x10400];
	_ =	sdelay $0x4  }
0x29: {  	(v2sf) =	vpush v0, $0x0;
	_ =	sdelay $0xe  }
0x2a: {  	s0 =	spop (v2sf)  }
0x2b: {  	s1 =	sshrl.u32 s0, $0x3  }
0x2c: {  	s1 =	sadd.s32 s3, s1  }
0x2d: {  	[tilespmem:s2], [sflag:$0x3] =	stream.linear.gather [hbm4b:s1+s2], $0x200, $0x38;
	[tilespmem:$0x18620] =	vst v63  }
0x2e: {  	_ =	swait.ge [sflag:s9], $0x200  }
0x2f: {  	[sflag:s9] =	ssyncset.done $0x0  }
0x30: {  	s11 =	simm.s32 $0x400;
	[sflag:s9] =	ssyncadd.s32 $0xFFFFFE00  }
0x31: {  	[tilespmem:s11], [sflag:$0x1] =	stream.indirect.gather [hbm4b:s4+s10], $0x40, s2, s10, $0xb8;
	[tilespmem:$0x18620] =	vst v63  }
0x32: {  	s12 =	simm.s32 $0x2400  }
0x33: {  	[tilespmem:s12], [sflag:$0x1] =	stream.indirect.gather [hbm4b:s4+s10], $0x40, s10, s10, $0xb8;
	[tilespmem:$0x18620] =	vst v63  }
0x34: {  	s13 =	simm.s32 $0x100;
	s8 =	simm.s32 $0x4400;
	s15 =	sadd.s32 $0x200, s0  }
0x35: {  	[tilespmem:s8], [sflag:$0x1] =	stream.indirect.gather [hbm4b:s4+s10], $0x40, s13, s10, $0xb8;
	[tilespmem:$0x18620] =	vst v63  }
0x36: {  	s14 =	simm.s32 $0x180;
	s1 =	sshrl.u32 s15, $0x3  }
0x37: {  	[tilespmem:s16], [sflag:$0x1] =	stream.indirect.gather [hbm4b:s4+s10], $0x40, s14, s10, $0xb8;
	[tilespmem:$0x18620] =	vst v63  }
0x38: {  	s1 =	sadd.s32 s3, s1  }
0x39: {  	[tilespmem:s17], [sflag:$0x3] =	stream.linear.gather [hbm4b:s1+s2], $0x200, $0x38;
	[tilespmem:$0x18620] =	vst v63  }
0x3a: {  	_ =	swait.ge [sflag:s9], $0x200  }
0x3b: {  	[sflag:s9] =	ssyncset.done $0x0  }
0x3c: {  	[sflag:s9] =	ssyncadd.s32 $0xFFFFFE00  }
0x3d: {  	[tilespmem:s18], [sflag:$0x2] =	stream.indirect.gather [hbm4b:s4+s10], $0x40, s17, s10, $0xb8;
	[tilespmem:$0x18620] =	vst v63  }
0x3e: {  	_ = 	snop  }
0x3f: {  	[tilespmem:s20], [sflag:$0x2] =	stream.indirect.gather [hbm4b:s4+s10], $0x40, s19, s10, $0xb8;
	[tilespmem:$0x18620] =	vst v63  }
0x40: {  	_ = 	snop  }
0x41: {  	[tilespmem:s22], [sflag:$0x2] =	stream.indirect.gather [hbm4b:s4+s10], $0x40, s21, s10, $0xb8;
	[tilespmem:$0x18620] =	vst v63  }
0x42: {  	_ = 	snop  }
0x43: {  	[tilespmem:s24], [sflag:$0x2] =	stream.indirect.gather [hbm4b:s4+s10], $0x40, s23, s10, $0xb8;
	[tilespmem:$0x18620] =	vst v63  }
0x44: {  	_ =	swait.ge [sflag:s25], $0x2000  }
0x45: {  	[sflag:s25] =	ssyncset.done $0x0  }
0x46: {  	[sflag:s25] =	ssyncadd.s32 $0xFFFFE000  }
0x47: {  	_ =	swait.ge [sflag:s25], $0x2000  }
0x48: {  	[sflag:s25] =	ssyncset.done $0x0  }
0x49: {  	[sflag:s25] =	ssyncadd.s32 $0xFFFFE000  }
0x4a: {  	_ =	swait.ge [sflag:s25], $0x2000  }
0x4b: {  	[sflag:s25] =	ssyncset.done $0x0  }
.Ltmp2:
0x4c: {  	[sflag:s25] =	ssyncadd.s32 $0xFFFFE000;
	(pc) =	sbr.rel .LBB2_2-.Ltmp2, $4  }
0x4d: {  	_ =	swait.ge [sflag:s25], $0x2000  }
0x4e: {  	s30 =	simm.s32 $0x0;
	[sflag:s25] =	ssyncset.done $0x0  }
0x4f: {  	s31 =	simm.s32 $0x0;
	s29 =	sadd.s32 $0x400, s0;
	[sflag:s25] =	ssyncadd.s32 $0xFFFFE000  }
0x50: {  	s11 =	simm.s32 $0x0;
	s8 =	sand.u32 $0x7, s0;
	[smem:$0x0] =	sst s2  }
.LBB2_15:
0x51: {  	v4 =	vmov s1  }
0x52: {  	v4 =	vcvt.s32.f32 v4;
	_ =	sdelay $0x1  }
0x53: {  	v4 =	vmax.f32 v4, $1.000000000e+00  }
0x54: {  	v4 =	vbroadcast v4, $0x0;
	_ =	sdelay $0x1  }
0x55: {  	(erf) = vrcp.f32 v4;
	_ =	sdelay $0x8  }
0x56: {  	s0 =	sshll.u32 s31, $0x6;
	s31 =	sadd.s32 $0x1, s31;
	v4 =	vpop (erf)  }
0x57: {  	p0 =	sne.s32 s31, $0x200;
	v3 =	vmul.f32 v3, v4  }
.Ltmp3:
0x58: {  	s0 =	sand.u32 $0x3FFFFFC0, s0;
	v2 =	vmul.f32 v2, v4;
	(pc) =	sbr.rel @!p0 .LBB2_16-.Ltmp3, $4  }
0x59: {  	v1 =	vmul.f32 v1, v4;
	[tilespmem:s0+$0x10620] =	vst v3  }
0x5a: {  	v0 =	vmul.f32 v0, v4;
	[tilespmem:s0+$0x10630] =	vst v2  }
0x5b: {  	[tilespmem:s0+$0x10640] =	vst v1  }
0x5c: {  	[tilespmem:s0+$0x10650] =	vst v0  }
.LBB2_2:
0x5d: {  	v0 =	vld [tilespmem:s31+$0x10400];
	_ =	sdelay $0x4  }
0x5e: {  	(v2sf) =	vpush v0, $0x1  }
0x5f: {  	(v2sf) =	vpush v0, $0x0;
	_ =	sdelay $0xd  }
0x60: {  	s0 =	spop (v2sf)  }
0x61: {  	s1 =	spop (v2sf)  }
0x62: {  	s1 =	ssub.s32 s0, s1  }
0x63: {  	p0 =	slt.s32 s1, $0x1  }
.Ltmp4:
0x64: {  	_ = 	snop;
	(pc) =	sbr.rel @!p0 .LBB2_3-.Ltmp4, $4  }
.Ltmp5:
0x65: {  	_ = 	snop;
	(pc) =	sbr.rel @p0 .LBB2_15-.Ltmp5, $4  }
0x66: {  	_ = 	snop  }
0x67: {  	v1 =	vimm.f32 $0.0e+00  }
0x68: {  	v2 =	vimm.f32 $0.0e+00;
	v3 =	vimm.f32 $0.0e+00;
	v0 =	vimm.f32 $0.0e+00;
	s0 =	smov.u32 s1  }
0x69: {  	_ = 	snop  }
.LBB2_13:
0x6a: {  	_ = 	snop  }
0x6b: {  	v2 =	vadd.f32 v4, v2  }
0x6c: {  	v1 =	vadd.f32 v5, v1;
	v3 =	vadd.f32 v6, v3  }
.LBB2_14:
0x6d: {  	s0 =	ssub.s32 s0, s11  }
0x6e: {  	p0 =	sgt.s32 s0, $0x0  }
.Ltmp6:
0x6f: {  	_ = 	snop;
	(pc) =	sbr.rel @!p0 .LBB2_15-.Ltmp6, $2  }
0x70: {  	_ =	sdelay $0x2  }
0x71: {  	s8 =	sadd.s32 s8, s11;
	s11 =	smov.u32 s30  }
.LBB2_3:
0x72: {  	p0 =	seq.s32 s8, $0x200  }
.Ltmp7:
0x73: {  	_ = 	snop;
	(pc) =	sbr.rel @!p0 .LBB2_4-.Ltmp7, $1  }
0x74: {  	_ =	sdelay $0x3  }
0x75: {  	s30 =	sadd.s32 $0x1, s11  }
0x76: {  	s8 =	sshrl.u32 s30, $0x1F  }
0x77: {  	s8 =	sadd.s32 s8, s30  }
0x78: {  	s8 =	sand.u32 $0xFFFFFFFE, s8  }
0x79: {  	s12 =	ssub.s32 s30, s8  }
0x7a: {  	p0 =	seq.s32 s12, $0x1  }
0x7b: {  	s8 =	simm.s32 @p0 $0x2  }
0x7c: {  	_ =	swait.ge @p0 [sflag:s8], $0x2000  }
0x7d: {  	[sflag:s8] =	ssyncset.done @p0 $0x0  }
0x7e: {  	[sflag:s8] =	ssyncadd.s32 @p0 $0xFFFFE000  }
0x7f: {  	_ =	swait.ge @p0 [sflag:s8], $0x2000  }
0x80: {  	[sflag:s8] =	ssyncset.done @p0 $0x0  }
0x81: {  	[sflag:s8] =	ssyncadd.s32 @p0 $0xFFFFE000  }
0x82: {  	_ =	swait.ge @p0 [sflag:s8], $0x2000  }
0x83: {  	[sflag:s8] =	ssyncset.done @p0 $0x0  }
0x84: {  	s13 =	sshll.u32 @p0 s11, $0x9;
	[sflag:s8] =	ssyncadd.s32 @p0 $0xFFFFE000  }
0x85: {  	s13 =	sadd.s32 @p0 s13, s29;
	_ =	swait.ge @p0 [sflag:s8], $0x2000  }
0x86: {  	s13 =	sshrl.u32 @p0 s13, $0x3;
	[sflag:s8] =	ssyncset.done @p0 $0x0  }
0x87: {  	[sflag:s8] =	ssyncadd.s32 @p0 $0xFFFFE000;
	s8 =	sadd.s32 @p0 s3, s13;
	s13 =	simm.s32 @p0 $0x0  }
0x88: {  	[tilespmem:s13], [sflag:$0x3] =	stream.linear.gather @p0 [hbm4b:s8+s13], $0x200, $0x38;
	[tilespmem:$0x18620] =	vst v63  }
0x89: {  	s8 =	simm.s32 @p0 $0x3  }
0x8a: {  	_ =	swait.ge @p0 [sflag:s8], $0x200  }
0x8b: {  	[sflag:s8] =	ssyncset.done @p0 $0x0  }
0x8c: {  	s14 =	simm.s32 @p0 $0x400;
	[sflag:s8] =	ssyncadd.s32 @p0 $0xFFFFFE00;
	s8 =	simm.s32 @p0 $0x80  }
0x8d: {  	[tilespmem:s14], [sflag:$0x1] =	stream.indirect.gather @p0 [hbm4b:s4+s8], $0x40, s13, s8, $0xb8;
	[tilespmem:$0x18620] =	vst v63  }
0x8e: {  	s13 =	simm.s32 @p0 $0x2400  }
0x8f: {  	[tilespmem:s13], [sflag:$0x1] =	stream.indirect.gather @p0 [hbm4b:s4+s8], $0x40, s8, s8, $0xb8;
	[tilespmem:$0x18620] =	vst v63  }
0x90: {  	s14 =	simm.s32 @p0 $0x4400;
	s13 =	simm.s32 @p0 $0x100  }
0x91: {  	[tilespmem:s14], [sflag:$0x1] =	stream.indirect.gather @p0 [hbm4b:s4+s8], $0x40, s13, s8, $0xb8;
	[tilespmem:$0x18620] =	vst v63  }
0x92: {  	p1 =	sne.s32 @!p0 s12, $0x0;
	s13 =	simm.s32 @p0 $0x180;
	s14 =	simm.s32 @p0 $0x6400  }
0x93: {  	[tilespmem:s14], [sflag:$0x1] =	stream.indirect.gather @p0 [hbm4b:s4+s8], $0x40, s13, s8, $0xb8;
	[tilespmem:$0x18620] =	vst v63  }
0x94: {  	p0 =	por p1, p0  }
0x95: {  	s8 =	simm.s32 @!p0 $0x1  }
0x96: {  	_ =	swait.ge @!p0 [sflag:s8], $0x2000  }
0x97: {  	[sflag:s8] =	ssyncset.done @!p0 $0x0  }
0x98: {  	[sflag:s8] =	ssyncadd.s32 @!p0 $0xFFFFE000  }
0x99: {  	_ =	swait.ge @!p0 [sflag:s8], $0x2000  }
0x9a: {  	[sflag:s8] =	ssyncset.done @!p0 $0x0  }
0x9b: {  	[sflag:s8] =	ssyncadd.s32 @!p0 $0xFFFFE000  }
0x9c: {  	_ =	swait.ge @!p0 [sflag:s8], $0x2000  }
0x9d: {  	[sflag:s8] =	ssyncset.done @!p0 $0x0  }
0x9e: {  	[sflag:s8] =	ssyncadd.s32 @!p0 $0xFFFFE000  }
0x9f: {  	s11 =	sshll.u32 @!p0 s11, $0x9;
	_ =	swait.ge @!p0 [sflag:s8], $0x2000  }
0xa0: {  	s11 =	sadd.s32 @!p0 s11, s29;
	[sflag:s8] =	ssyncset.done @!p0 $0x0  }
0xa1: {  	[sflag:s8] =	ssyncadd.s32 @!p0 $0xFFFFE000;
	s8 =	sshrl.u32 @!p0 s11, $0x3  }
0xa2: {  	s13 =	simm.s32 @!p0 $0x200;
	s11 =	simm.s32 @!p0 $0x0;
	s8 =	sadd.s32 @!p0 s3, s8  }
0xa3: {  	[tilespmem:s13], [sflag:$0x3] =	stream.linear.gather @!p0 [hbm4b:s8+s11], $0x200, $0x38;
	[tilespmem:$0x18620] =	vst v63  }
0xa4: {  	s8 =	simm.s32 @!p0 $0x3  }
0xa5: {  	_ =	swait.ge @!p0 [sflag:s8], $0x200  }
0xa6: {  	[sflag:s8] =	ssyncset.done @!p0 $0x0  }
0xa7: {  	s11 =	simm.s32 @!p0 $0x8400;
	[sflag:s8] =	ssyncadd.s32 @!p0 $0xFFFFFE00;
	s8 =	simm.s32 @!p0 $0x80  }
0xa8: {  	[tilespmem:s11], [sflag:$0x2] =	stream.indirect.gather @!p0 [hbm4b:s4+s8], $0x40, s13, s8, $0xb8;
	[tilespmem:$0x18620] =	vst v63  }
0xa9: {  	s11 =	simm.s32 @!p0 $0x280;
	s13 =	simm.s32 @!p0 $0xA400  }
0xaa: {  	[tilespmem:s13], [sflag:$0x2] =	stream.indirect.gather @!p0 [hbm4b:s4+s8], $0x40, s11, s8, $0xb8;
	[tilespmem:$0x18620] =	vst v63  }
.Ltmp8:
0xab: {  	s11 =	simm.s32 @!p0 $0x300;
	s13 =	simm.s32 @!p0 $0xC400;
	(pc) =	sbr.rel .LBB2_6-.Ltmp8, $4  }
0xac: {  	[tilespmem:s13], [sflag:$0x2] =	stream.indirect.gather @!p0 [hbm4b:s4+s8], $0x40, s11, s8, $0xb8;
	[tilespmem:$0x18620] =	vst v63  }
0xad: {  	s11 =	simm.s32 @!p0 $0x380;
	s13 =	simm.s32 @!p0 $0xE400  }
0xae: {  	[tilespmem:s13], [sflag:$0x2] =	stream.indirect.gather @!p0 [hbm4b:s4+s8], $0x40, s11, s8, $0xb8;
	[tilespmem:$0x18620] =	vst v63  }
0xaf: {  	[smem:$0x0] =	sst s30;
	s8 =	simm.s32 $0x0  }
.LBB2_4:
0xb0: {  	s11 =	sshrl.u32 s30, $0x1F  }
0xb1: {  	s11 =	sadd.s32 s11, s30  }
0xb2: {  	s11 =	sand.u32 $0xFFFFFFFE, s11  }
0xb3: {  	s12 =	ssub.s32 s30, s11  }
.LBB2_6:
0xb4: {  	s11 =	ssub.s32 $0x200, s8  }
0xb5: {  	p0 =	slt.s32 s0, s11  }
0xb6: {  	s11 =	smov.u32 @p0 s0  }
0xb7: {  	s15 =	sshra.s32 s11, $0x2  }
0xb8: {  	p0 =	slt.s32 s15, $0x1  }
.Ltmp9:
0xb9: {  	_ = 	snop;
	(pc) =	sbr.rel @p0 .LBB2_10-.Ltmp9, $2  }
0xba: {  	_ =	sdelay $0x2  }
0xbb: {  	s12 =	sshll.u32 s12, $0x11;
	s13 =	sshll.u32 s8, $0x8  }
0xbc: {  	s14 =	sadd.s32 s13, s12  }
0xbd: {  	s14 =	sshra.s32 s14, $0x2  }
0xbe: {  	s14 =	sadd.s32 $0x480, s14  }
0xbf: {  	v4 =	vld [tilespmem:s14+$0x40]  }
0xc0: {  	v6 =	vld [tilespmem:s14+$0x50]  }
0xc1: {  	v5 =	vld [tilespmem:s14+$0x0]  }
0xc2: {  	v7 =	vld [tilespmem:s14+$0x10]  }
0xc3: {  	p0 =	sne.s32 s15, $0x1;
	v8 =	vld [tilespmem:s14+$0xFFFFFFC0]  }
.Ltmp10:
0xc4: {  	v9 =	vld [tilespmem:s14+$0xFFFFFFD0];
	(pc) =	sbr.rel @!p0 .LBB2_9-.Ltmp10, $4  }
0xc5: {  	v10 =	vld [tilespmem:s14+$0xFFFFFF80]  }
0xc6: {  	v12 =	vld [tilespmem:s14+$0xFFFFFF90]  }
0xc7: {  	v11 =	vld [tilespmem:s14+$0xFFFFFFA0]  }
0xc8: {  	s15 =	sadd.s32 $0xFFFFFFFF, s15;
	v13 =	vld [tilespmem:s14+$0xFFFFFFB0]  }
.LBB2_8:
0xc9: {  	p0 =	sne.s32 s15, $0x1;
	v14 =	vld [tilespmem:s14+$0xFFFFFFE0]  }
0xca: {  	v15 =	vld [tilespmem:s14+$0xFFFFFFF0]  }
0xcb: {  	v16 =	vld [tilespmem:s14+$0x20]  }
0xcc: {  	v3 =	vadd.f32 v10, v3;
	v2 =	vadd.f32 v12, v2;
	v10 =	vld [tilespmem:s14+$0x30]  }
0xcd: {  	v1 =	vadd.f32 v11, v1;
	v0 =	vadd.f32 v13, v0;
	v11 =	vld [tilespmem:s14+$0x60]  }
0xce: {  	v3 =	vadd.f32 v8, v3;
	v2 =	vadd.f32 v9, v2;
	v9 =	vld [tilespmem:s14+$0x70];
	s14 =	sadd.s32 $0x100, s14  }
0xcf: {  	v1 =	vadd.f32 v14, v1;
	v12 =	vld [tilespmem:s14+$0x40];
	v0 =	vadd.f32 v15, v0  }
0xd0: {  	v3 =	vadd.f32 v5, v3;
	v2 =	vadd.f32 v7, v2;
	v13 =	vld [tilespmem:s14+$0x50]  }
0xd1: {  	v1 =	vadd.f32 v16, v1;
	v5 =	vld [tilespmem:s14+$0x0];
	v0 =	vadd.f32 v10, v0  }
0xd2: {  	v3 =	vadd.f32 v4, v3;
	v2 =	vadd.f32 v6, v2;
	v7 =	vld [tilespmem:s14+$0x10]  }
0xd3: {  	v1 =	vadd.f32 v11, v1;
	v8 =	vld [tilespmem:s14+$0xFFFFFFC0];
	v0 =	vadd.f32 v9, v0  }
.Ltmp11:
0xd4: {  	v9 =	vld [tilespmem:s14+$0xFFFFFFD0];
	v4 =	vmov v12;
	(pc) =	sbr.rel @p0 .LBB2_8-.Ltmp11, $4  }
0xd5: {  	v10 =	vld [tilespmem:s14+$0xFFFFFF80];
	v6 =	vmov v13  }
0xd6: {  	v12 =	vld [tilespmem:s14+$0xFFFFFF90]  }
0xd7: {  	v11 =	vld [tilespmem:s14+$0xFFFFFFA0]  }
0xd8: {  	s15 =	sadd.s32 $0xFFFFFFFF, s15;
	v13 =	vld [tilespmem:s14+$0xFFFFFFB0]  }
.LBB2_9:
0xd9: {  	v14 =	vld [tilespmem:s14+$0xFFFFFFE0]  }
0xda: {  	v15 =	vld [tilespmem:s14+$0xFFFFFFF0]  }
0xdb: {  	v16 =	vld [tilespmem:s14+$0x20]  }
0xdc: {  	v61 =	vld [tilespmem:s14+$0x30];
	v3 =	vadd.f32 v10, v3;
	v2 =	vadd.f32 v12, v2  }
0xdd: {  	v62 =	vld [tilespmem:s14+$0x60];
	v1 =	vadd.f32 v11, v1;
	v0 =	vadd.f32 v13, v0  }
0xde: {  	v63 =	vld [tilespmem:s14+$0x70];
	v3 =	vadd.f32 v8, v3;
	v2 =	vadd.f32 v9, v2  }
0xdf: {  	v1 =	vadd.f32 v14, v1;
	v0 =	vadd.f32 v15, v0  }
0xe0: {  	v3 =	vadd.f32 v5, v3;
	v2 =	vadd.f32 v7, v2  }
0xe1: {  	v1 =	vadd.f32 v16, v1;
	v0 =	vadd.f32 v61, v0  }
0xe2: {  	v3 =	vadd.f32 v4, v3;
	v2 =	vadd.f32 v6, v2  }
0xe3: {  	v1 =	vadd.f32 v62, v1;
	v0 =	vadd.f32 v63, v0  }
.LBB2_10:
0xe4: {  	s14 =	sand.u32 $0x3, s11  }
0xe5: {  	p0 =	seq.s32 s14, $0x0  }
.Ltmp12:
0xe6: {  	_ = 	snop;
	(pc) =	sbr.rel @p0 .LBB2_14-.Ltmp12, $1  }
0xe7: {  	_ =	sdelay $0x3  }
0xe8: {  	s15 =	sshll.u32 s11, $0x8  }
0xe9: {  	s15 =	sand.u32 $0xFFFFFC00, s15  }
0xea: {  	s12 =	sadd.s32 s15, s12  }
0xeb: {  	s12 =	sadd.s32 s13, s12  }
0xec: {  	s12 =	sshra.s32 s12, $0x2  }
0xed: {  	s15 =	sadd.s32 $0x420, s12  }
0xee: {  	p0 =	sne.s32 s14, $0x1;
	v7 =	vld [tilespmem:s15+$0x10]  }
.Ltmp13:
0xef: {  	v4 =	vld [tilespmem:s15+$0xFFFFFFF0];
	(pc) =	sbr.rel @!p0 .LBB2_13-.Ltmp13, $3  }
0xf0: {  	v5 =	vld [tilespmem:s15+$0x0]  }
0xf1: {  	v6 =	vld [tilespmem:s15+$0xFFFFFFE0];
	_ =	sdelay $0x1  }
0xf2: {  	s12 =	sadd.s32 $0xFFFFFFFF, s14;
	s13 =	sadd.s32 $0x40, s15;
	v0 =	vadd.f32 v7, v0  }
.LBB2_12:
0xf3: {  	v7 =	vld [tilespmem:s13+$0x10];
	p0 =	sne.s32 s12, $0x1;
	s12 =	sadd.s32 $0xFFFFFFFF, s12;
	v2 =	vadd.f32 v4, v2  }
.Ltmp14:
0xf4: {  	v1 =	vadd.f32 v5, v1;
	v4 =	vld [tilespmem:s13+$0xFFFFFFF0];
	(pc) =	sbr.rel @p0 .LBB2_12-.Ltmp14, $3  }
0xf5: {  	v3 =	vadd.f32 v6, v3;
	v5 =	vld [tilespmem:s13+$0x0]  }
0xf6: {  	v6 =	vld [tilespmem:s13+$0xFFFFFFE0];
	_ =	sdelay $0x1  }
0xf7: {  	s13 =	sadd.s32 $0x40, s13;
	v0 =	vadd.f32 v7, v0  }
.Ltmp15:
0xf8: {  	_ = 	snop;
	(pc) =	sbr.rel .LBB2_13-.Ltmp15, $1  }
0xf9: {  	_ =	sdelay $0x3  }
.LBB2_16:
0xfa: {  	s0 =	sadd.s32 $0x1, s30  }
0xfb: {  	s1 =	sshrl.u32 s0, $0x1F  }
0xfc: {  	s1 =	sadd.s32 s1, s0  }
0xfd: {  	s1 =	sand.u32 $0xFFFFFFFE, s1  }
0xfe: {  	s0 =	ssub.s32 s0, s1  }
0xff: {  	p0 =	seq.s32 s0, $0x0  }
.Ltmp16:
0x100: {  	_ = 	snop;
	(pc) =	sbr.rel @p0 .LBB2_17-.Ltmp16, $1  }
0x101: {  	_ =	sdelay $0x3  }
0x102: {  	p0 =	sne.s32 s0, $0x1  }
.Ltmp17:
0x103: {  	_ = 	snop;
	(pc) =	sbr.rel @p0 .LBB2_21-.Ltmp17, $1  }
0x104: {  	_ =	sdelay $0x3  }
.Ltmp18:
0x105: {  	(pc) =	sbr.rel .LBB2_20-.Ltmp18, $2  }
0x106: {  	_ =	sdelay $0x2  }
0x107: {  	s0 =	simm.s32 $0x2  }
.LBB2_22:
0x108: {  	_ =	sfence.sel $0x180000  }
0x109: {  	[bflag:$0x0] =	sbarrier.arrive $0xFFFF  }
0x10a: {  	_ =	strace $0x90000047  }
0x10b: {  	s0 =	stileid.u32;
	[bflag:$0x2] =	sbarrier.arrive $0xFFFF  }
0x10c: {  	p0 =	sne.s32 s0, $0x0;
	s0 =	rddreg [dreg:$0x2]  }
0x10d: {  	s0 =	sadd.s32 @!p0 $0x100000, s0  }
0x10e: {  	[sflag:s0] =	ssyncadd.tile.s32 @!p0 $0x1;
	_ =	shalt  }
.Lfunc_end2:
_tile_overlayer_lowered:
.L_overlay_start_2:
0x10f: {  	(tag) =	ssettag $0x2  }
0x110: {  	s0 =	rddreg [dreg:$0x0];
	s2 =	stileid.u32  }
0x111: {  	s1 =	rddreg [dreg:$0x1];
	p0 =	sne.s32 s2, $0x0  }
0x112: {  	s3 =	rddreg [dreg:$0x2];
	[bflag:$0x3] =	sbarrier.arrive $0xFFFF;
	s2 =	simm.s32 @!p0 $0x1C03  }
0x113: {  	[timem:s3], [sflag:s2] =	dma.local @!p0 [hbm:s0], s1  }
0x114: {  	s0 =	simm.s32 @!p0 $0x3  }
0x115: {  	_ =	swait.ge @!p0 [sflag:s0], s1  }
0x116: {  	s1 =	ssub.s32 @!p0 $0x0, s1;
	[sflag:s0] =	ssyncset.done @!p0 $0x0  }
0x117: {  	[sflag:s0] =	ssyncadd.s32 @!p0 s1  }
0x118: {  	[bflag:$0x3] =	sbarrier.arrive $0xFFFF  }
0x119: {  	_ =	shalt  }

</sc_bundles>
